<compile_context>
chip_gen: v7x
topology: tpu7x:2x2x1
jax: 0.10.2.dev20260603
libtpu: 0.0.44.dev20260713+nightly
codegen_flags: <defaults>
</compile_context>

<pallas_src>
import functools

import jax
import jax.numpy as jnp
from jax import lax
from jax.experimental import pallas as pl
from jax.experimental.pallas import tpu as pltpu
from jax.experimental.pallas import tpu_sc as plsc

CLS_NUM = 100000
FEATURE_NUM = 64
BATCH = 16384

TPAD = 53248
SHIFT = 47104

NC = 2
NS = 16
NW = NC * NS
B_PER_W = BATCH // NW
HIST_PAD = 100096


PK_BLK = 2048


def _pack_body(lo_ref, hi_ref, out_ref):
    eye = jnp.eye(FEATURE_NUM, dtype=jnp.float32)
    t_lo = jax.lax.dot_general(
        lo_ref[...], eye, (((0,), (0,)), ((), ())),
        preferred_element_type=jnp.float32,
    )
    t_hi = jax.lax.dot_general(
        hi_ref[...], eye, (((0,), (0,)), ((), ())),
        preferred_element_type=jnp.float32,
    )
    out_ref[:, :FEATURE_NUM] = t_lo
    out_ref[:, FEATURE_NUM:] = t_hi


_pack_table = pl.pallas_call(
    _pack_body,
    grid=(TPAD // PK_BLK,),
    in_specs=[
        pl.BlockSpec((FEATURE_NUM, PK_BLK), lambda i: (0, i)),
        pl.BlockSpec((FEATURE_NUM, PK_BLK), lambda i: (0, SHIFT // PK_BLK + i)),
    ],
    out_specs=pl.BlockSpec((PK_BLK, 128), lambda i: (i, 0)),
    out_shape=jax.ShapeDtypeStruct((TPAD, 128), jnp.float32),
)


def _sc_body(labels_hbm, table_hbm, slab_hbm, cnt_hbm,
             labv_my, labv_idx, labv_hist, zeros_v, ones_v, cntv, rows_vp,
             hist, sem):
    cid = lax.axis_index("c")
    sid = lax.axis_index("s")
    wid = sid * NC + cid

    for k in range(4):
        pltpu.sync_copy(
            labels_hbm.at[pl.ds((wid * 4 + k) * 128, 128)], labv_my.at[k]
        )

    th = jnp.full((16,), TPAD, jnp.int32)
    sh = jnp.full((16,), SHIFT, jnp.int32)
    for k in range(4):
        for j in range(8):
            v = labv_my[k, pl.ds(j * 16, 16)]
            labv_idx[k, pl.ds(j * 16, 16)] = jnp.where(v >= th, v - sh, v)

    cps = [
        pltpu.async_copy(
            table_hbm.at[labv_idx.at[k]],
            rows_vp.at[pl.ds(k * 128, 128)],
            sem,
        )
        for k in range(4)
    ]

    for j in range(8):
        zeros_v[pl.ds(j * 16, 16)] = jnp.zeros((16,), jnp.float32)
        ones_v[pl.ds(j * 16, 16)] = jnp.ones((16,), jnp.float32)

    for k in range(8):
        pltpu.sync_copy(
            labels_hbm.at[pl.ds((sid * 8 + k) * 128, 128)], labv_hist.at[k]
        )

    for k in range(8):
        pltpu.sync_copy(zeros_v, hist.at[labv_hist.at[k]])
    plsc.subcore_barrier()
    for k in range(8):
        pltpu.sync_copy(ones_v, hist.at[labv_hist.at[k]], add=True)
    plsc.subcore_barrier()

    for k in range(4):
        pltpu.sync_copy(hist.at[labv_my.at[k]], cntv.at[pl.ds(k * 128, 128)])
    pltpu.sync_copy(cntv, cnt_hbm.at[pl.ds(wid * B_PER_W, B_PER_W)])

    for cp in cps:
        cp.wait()
    pltpu.sync_copy(rows_vp, slab_hbm.at[pl.ds(wid * B_PER_W, B_PER_W)])


_sc_gather = functools.partial(
    pl.kernel,
    mesh=plsc.VectorSubcoreMesh(core_axis_name="c", subcore_axis_name="s"),
    compiler_params=pltpu.CompilerParams(
        use_tc_tiling_on_sc=False, needs_layout_passes=False
    ),
    out_type=[
        jax.ShapeDtypeStruct((BATCH, 128), jnp.float32),
        jax.ShapeDtypeStruct((BATCH,), jnp.float32),
    ],
    scratch_types=[
        pltpu.VMEM((4, 128), jnp.int32),
        pltpu.VMEM((4, 128), jnp.int32),
        pltpu.VMEM((8, 128), jnp.int32),
        pltpu.VMEM((128,), jnp.float32),
        pltpu.VMEM((128,), jnp.float32),
        pltpu.VMEM((B_PER_W,), jnp.float32),
        pltpu.VMEM((B_PER_W, 128), jnp.float32),
        pltpu.VMEM_SHARED((HIST_PAD,), jnp.float32),
        pltpu.SemaphoreType.DMA,
    ],
)(_sc_body)


TC_BLK = 2048


def _tc_body(xT_ref, slab_ref, lab_ref, cnt_ref, out_ref):
    xT = xT_ref[...]
    slab = slab_ref[...]
    eye = jnp.eye(128, dtype=jnp.float32)
    st = jax.lax.dot_general(
        eye, slab, (((1,), (1,)), ((), ())),
        preferred_element_type=jnp.float32,
    )
    diff_lo = xT - st[:FEATURE_NUM, :]
    diff_hi = xT - st[FEATURE_NUM:, :]
    d2_lo = jnp.sum(diff_lo * diff_lo, axis=0)
    d2_hi = jnp.sum(diff_hi * diff_hi, axis=0)
    sel = lab_ref[...] >= TPAD
    d2 = jnp.where(sel, d2_hi, d2_lo)
    part = jnp.sum(jnp.sqrt(d2) / cnt_ref[...]).reshape(1, 1)

    @pl.when(pl.program_id(0) == 0)
    def _():
        out_ref[...] = jnp.zeros_like(out_ref)

    out_ref[...] += part


_tc_tail = pl.pallas_call(
    _tc_body,
    grid=(BATCH // TC_BLK,),
    in_specs=[
        pl.BlockSpec((FEATURE_NUM, TC_BLK), lambda i: (0, i)),
        pl.BlockSpec((TC_BLK, 128), lambda i: (i, 0)),
        pl.BlockSpec((TC_BLK,), lambda i: (i,)),
        pl.BlockSpec((TC_BLK,), lambda i: (i,)),
    ],
    out_specs=pl.BlockSpec((1, 1), lambda i: (0, 0)),
    out_shape=jax.ShapeDtypeStruct((1, 1), jnp.float32),
)


@jax.jit
def kernel(datas, labels, center):
    labels = labels.astype(jnp.int32)
    centerT = center.T
    table = _pack_table(centerT, centerT)
    slab, cnt = _sc_gather(labels, table)
    out = _tc_tail(datas.T, slab, labels, cnt)
    return out[0, 0]

# --- scband reference (transcript-rebuilt; emitter-appended) ---
"""Pipeline reference for scband-center-loss-51110110822833 (READ-ONLY COPY).

The authoritative reference and input builder live on the scoring server;
editing this copy changes nothing except your own understanding.
"""

import jax, jax.numpy as jnp
import numpy as np

CLS_NUM = 100000
FEATURE_NUM = 64
BATCH = 16384

def setup_inputs(seed: int = 0) -> dict:
    key = jax.random.key(seed)
    k1, k2, k3 = jax.random.split(key, 3)
    datas = jax.random.normal(k1, (BATCH, FEATURE_NUM), dtype=jnp.float32)
    labels = jax.random.randint(k2, (BATCH,), 0, CLS_NUM, dtype=jnp.int64)
    center = jax.random.normal(k3, (CLS_NUM, FEATURE_NUM), dtype=jnp.float32)
    return {"datas": datas, "labels": labels, "center": center}

def reference(datas, labels, center):
    # center_exp = center.index_select(0, labels)
    center_exp = jnp.take(center, labels, axis=0)
    # torch.histc(labels.float(), bins=cls_num, min=0, max=cls_num-1) on integer
    # labels in [0, cls_num-1] is exactly a bincount of length cls_num.
    count = jnp.bincount(labels, length=CLS_NUM).astype(jnp.float32)
    count_exp = jnp.take(count, labels, axis=0)
    dist = jnp.sqrt(jnp.sum(jnp.power(datas - center_exp, 2), axis=1))
    center_loss = jnp.sum(jnp.divide(dist, count_exp))
    return center_loss

if __name__ == "__main__":
    import jax
    _d = setup_inputs()
    print(jax.jit(kernel)(*tuple(_d.values())))

</pallas_src>

<mosaic_0001>
#map = affine_map<(d0, d1) -> (0)>
#map1 = affine_map<(d0, d1) -> (0, 0)>
module attributes {stable_mosaic.version = 14 : i64} {
  func.func @_sc_body(%arg0: i32, %arg1: i32, %arg2: memref<16384xi32, #tpu.memory_space<hbm>>, %arg3: memref<53248x128xf32, #tpu.memory_space<hbm>>, %arg4: memref<16384x128xf32, #tpu.memory_space<hbm>>, %arg5: memref<16384xf32, #tpu.memory_space<hbm>>, %arg6: memref<4x128xi32, #tpu.memory_space<vmem>>, %arg7: memref<4x128xi32, #tpu.memory_space<vmem>>, %arg8: memref<8x128xi32, #tpu.memory_space<vmem>>, %arg9: memref<128xf32, #tpu.memory_space<vmem>>, %arg10: memref<128xf32, #tpu.memory_space<vmem>>, %arg11: memref<512xf32, #tpu.memory_space<vmem>>, %arg12: memref<512x128xf32, #tpu.memory_space<vmem>>, %arg13: memref<100096xf32, #tpu.memory_space<vmem_shared>>, %arg14: memref<!tpu.dma_semaphore, #tpu.memory_space<semaphore_mem>>) attributes {dimension_semantics = [#tpu.dimension_semantics<core_parallel>, #tpu.dimension_semantics<subcore_parallel>], iteration_bounds = array<i64: 2, 16>, scalar_prefetch = 0 : i64, scratch_operands = 9 : i64, tpu.core_type = #tpu.core_type<sc_vector_subcore>, window_params = [{transform_indices = #map}, {transform_indices = #map1}, {transform_indices = #map1}, {transform_indices = #map}]} {
    %mul3A = arith.constant 2 : i32
    %mul3A_0 = arith.muli %arg1, %mul3A : i32
    %add3A = arith.addi %mul3A_0, %arg0 : i32
    %mul3A_1 = arith.constant 4 : i32
    %mul3A_2 = arith.muli %add3A, %mul3A_1 : i32
    %add3A_3 = arith.constant 0 : i32
    %add3A_4 = arith.addi %mul3A_2, %add3A_3 : i32
    %mul3A_5 = arith.constant 128 : i32
    %mul3A_6 = arith.muli %add3A_4, %mul3A_5 : i32
    %run_scoped3A = arith.constant 0 : i32
    "tpu.region"() ({
      %run_scoped3A_601 = tpu.sem_alloc : memref<!tpu.dma_semaphore, #tpu.memory_space<semaphore_mem>>
      %dma_start3A_602 = arith.constant 0 : i32
      %dma_start3A_603 = tpu.memref_slice %arg6[%run_scoped3A, %dma_start3A_602] : memref<4x128xi32, #tpu.memory_space<vmem>> -> memref<1x128xi32, #tpu.memory_space<vmem>>
      %dma_start3A_604 = tpu.memref_squeeze %dma_start3A_603 : memref<1x128xi32, #tpu.memory_space<vmem>> -> memref<128xi32, #tpu.memory_space<vmem>>
      %dma_start3A_605 = tpu.memref_slice %arg2[%mul3A_6] : memref<16384xi32, #tpu.memory_space<hbm>> -> memref<128xi32, #tpu.memory_space<hbm>>
      %dma_start3A_606 = arith.constant 0 : i32
      %dma_start3A_607 = tpu.memref_slice %arg6[%run_scoped3A, %dma_start3A_606] : memref<4x128xi32, #tpu.memory_space<vmem>> -> memref<1x128xi32, #tpu.memory_space<vmem>>
      %dma_start3A_608 = tpu.memref_squeeze %dma_start3A_607 : memref<1x128xi32, #tpu.memory_space<vmem>> -> memref<128xi32, #tpu.memory_space<vmem>>
      %dma_start3A_609 = tpu.memref_slice %arg2[%mul3A_6] : memref<16384xi32, #tpu.memory_space<hbm>> -> memref<128xi32, #tpu.memory_space<hbm>>
      tpu.enqueue_dma source(%dma_start3A_609 : memref<128xi32, #tpu.memory_space<hbm>>) target(%dma_start3A_608 : memref<128xi32, #tpu.memory_space<vmem>>) target_semaphore(%run_scoped3A_601 : memref<!tpu.dma_semaphore, #tpu.memory_space<semaphore_mem>>)
      %dma_wait3A_610 = arith.constant 0 : i32
      %dma_wait3A_611 = tpu.memref_slice %arg6[%run_scoped3A, %dma_wait3A_610] : memref<4x128xi32, #tpu.memory_space<vmem>> -> memref<1x128xi32, #tpu.memory_space<vmem>>
      %dma_wait3A_612 = tpu.memref_squeeze %dma_wait3A_611 : memref<1x128xi32, #tpu.memory_space<vmem>> -> memref<128xi32, #tpu.memory_space<vmem>>
      %dma_wait3A_613 = tpu.memref_slice %arg2[%mul3A_6] : memref<16384xi32, #tpu.memory_space<hbm>> -> memref<128xi32, #tpu.memory_space<hbm>>
      %dma_wait3A_614 = arith.constant 0 : i32
      %dma_wait3A_615 = tpu.memref_slice %arg6[%run_scoped3A, %dma_wait3A_614] : memref<4x128xi32, #tpu.memory_space<vmem>> -> memref<1x128xi32, #tpu.memory_space<vmem>>
      %dma_wait3A_616 = tpu.memref_squeeze %dma_wait3A_615 : memref<1x128xi32, #tpu.memory_space<vmem>> -> memref<128xi32, #tpu.memory_space<vmem>>
      %dma_wait3A_617 = tpu.memref_slice %arg2[%mul3A_6] : memref<16384xi32, #tpu.memory_space<hbm>> -> memref<128xi32, #tpu.memory_space<hbm>>
      tpu.wait_dma2 semaphore(%run_scoped3A_601 : memref<!tpu.dma_semaphore, #tpu.memory_space<semaphore_mem>>) src(%dma_wait3A_617 : memref<128xi32, #tpu.memory_space<hbm>>) dst(%dma_wait3A_616 : memref<128xi32, #tpu.memory_space<vmem>>)
      tpu.yield
    }) : () -> ()
    %mul3A_7 = arith.constant 4 : i32
    %mul3A_8 = arith.muli %add3A, %mul3A_7 : i32
    %add3A_9 = arith.constant 1 : i32
    %add3A_10 = arith.addi %mul3A_8, %add3A_9 : i32
    %mul3A_11 = arith.constant 128 : i32
    %mul3A_12 = arith.muli %add3A_10, %mul3A_11 : i32
    %run_scoped3A_13 = arith.constant 1 : i32
    "tpu.region"() ({
      %run_scoped3A_601 = tpu.sem_alloc : memref<!tpu.dma_semaphore, #tpu.memory_space<semaphore_mem>>
      %dma_start3A_602 = arith.constant 0 : i32
      %dma_start3A_603 = tpu.memref_slice %arg6[%run_scoped3A_13, %dma_start3A_602] : memref<4x128xi32, #tpu.memory_space<vmem>> -> memref<1x128xi32, #tpu.memory_space<vmem>>
      %dma_start3A_604 = tpu.memref_squeeze %dma_start3A_603 : memref<1x128xi32, #tpu.memory_space<vmem>> -> memref<128xi32, #tpu.memory_space<vmem>>
      %dma_start3A_605 = tpu.memref_slice %arg2[%mul3A_12] : memref<16384xi32, #tpu.memory_space<hbm>> -> memref<128xi32, #tpu.memory_space<hbm>>
      %dma_start3A_606 = arith.constant 0 : i32
      %dma_start3A_607 = tpu.memref_slice %arg6[%run_scoped3A_13, %dma_start3A_606] : memref<4x128xi32, #tpu.memory_space<vmem>> -> memref<1x128xi32, #tpu.memory_space<vmem>>
      %dma_start3A_608 = tpu.memref_squeeze %dma_start3A_607 : memref<1x128xi32, #tpu.memory_space<vmem>> -> memref<128xi32, #tpu.memory_space<vmem>>
      %dma_start3A_609 = tpu.memref_slice %arg2[%mul3A_12] : memref<16384xi32, #tpu.memory_space<hbm>> -> memref<128xi32, #tpu.memory_space<hbm>>
      tpu.enqueue_dma source(%dma_start3A_609 : memref<128xi32, #tpu.memory_space<hbm>>) target(%dma_start3A_608 : memref<128xi32, #tpu.memory_space<vmem>>) target_semaphore(%run_scoped3A_601 : memref<!tpu.dma_semaphore, #tpu.memory_space<semaphore_mem>>)
      %dma_wait3A_610 = arith.constant 0 : i32
      %dma_wait3A_611 = tpu.memref_slice %arg6[%run_scoped3A_13, %dma_wait3A_610] : memref<4x128xi32, #tpu.memory_space<vmem>> -> memref<1x128xi32, #tpu.memory_space<vmem>>
      %dma_wait3A_612 = tpu.memref_squeeze %dma_wait3A_611 : memref<1x128xi32, #tpu.memory_space<vmem>> -> memref<128xi32, #tpu.memory_space<vmem>>
      %dma_wait3A_613 = tpu.memref_slice %arg2[%mul3A_12] : memref<16384xi32, #tpu.memory_space<hbm>> -> memref<128xi32, #tpu.memory_space<hbm>>
      %dma_wait3A_614 = arith.constant 0 : i32
      %dma_wait3A_615 = tpu.memref_slice %arg6[%run_scoped3A_13, %dma_wait3A_614] : memref<4x128xi32, #tpu.memory_space<vmem>> -> memref<1x128xi32, #tpu.memory_space<vmem>>
      %dma_wait3A_616 = tpu.memref_squeeze %dma_wait3A_615 : memref<1x128xi32, #tpu.memory_space<vmem>> -> memref<128xi32, #tpu.memory_space<vmem>>
      %dma_wait3A_617 = tpu.memref_slice %arg2[%mul3A_12] : memref<16384xi32, #tpu.memory_space<hbm>> -> memref<128xi32, #tpu.memory_space<hbm>>
      tpu.wait_dma2 semaphore(%run_scoped3A_601 : memref<!tpu.dma_semaphore, #tpu.memory_space<semaphore_mem>>) src(%dma_wait3A_617 : memref<128xi32, #tpu.memory_space<hbm>>) dst(%dma_wait3A_616 : memref<128xi32, #tpu.memory_space<vmem>>)
      tpu.yield
    }) : () -> ()
    %mul3A_14 = arith.constant 4 : i32
    %mul3A_15 = arith.muli %add3A, %mul3A_14 : i32
    %add3A_16 = arith.constant 2 : i32
    %add3A_17 = arith.addi %mul3A_15, %add3A_16 : i32
    %mul3A_18 = arith.constant 128 : i32
    %mul3A_19 = arith.muli %add3A_17, %mul3A_18 : i32
    %run_scoped3A_20 = arith.constant 2 : i32
    "tpu.region"() ({
      %run_scoped3A_601 = tpu.sem_alloc : memref<!tpu.dma_semaphore, #tpu.memory_space<semaphore_mem>>
      %dma_start3A_602 = arith.constant 0 : i32
      %dma_start3A_603 = tpu.memref_slice %arg6[%run_scoped3A_20, %dma_start3A_602] : memref<4x128xi32, #tpu.memory_space<vmem>> -> memref<1x128xi32, #tpu.memory_space<vmem>>
      %dma_start3A_604 = tpu.memref_squeeze %dma_start3A_603 : memref<1x128xi32, #tpu.memory_space<vmem>> -> memref<128xi32, #tpu.memory_space<vmem>>
      %dma_start3A_605 = tpu.memref_slice %arg2[%mul3A_19] : memref<16384xi32, #tpu.memory_space<hbm>> -> memref<128xi32, #tpu.memory_space<hbm>>
      %dma_start3A_606 = arith.constant 0 : i32
      %dma_start3A_607 = tpu.memref_slice %arg6[%run_scoped3A_20, %dma_start3A_606] : memref<4x128xi32, #tpu.memory_space<vmem>> -> memref<1x128xi32, #tpu.memory_space<vmem>>
      %dma_start3A_608 = tpu.memref_squeeze %dma_start3A_607 : memref<1x128xi32, #tpu.memory_space<vmem>> -> memref<128xi32, #tpu.memory_space<vmem>>
      %dma_start3A_609 = tpu.memref_slice %arg2[%mul3A_19] : memref<16384xi32, #tpu.memory_space<hbm>> -> memref<128xi32, #tpu.memory_space<hbm>>
      tpu.enqueue_dma source(%dma_start3A_609 : memref<128xi32, #tpu.memory_space<hbm>>) target(%dma_start3A_608 : memref<128xi32, #tpu.memory_space<vmem>>) target_semaphore(%run_scoped3A_601 : memref<!tpu.dma_semaphore, #tpu.memory_space<semaphore_mem>>)
      %dma_wait3A_610 = arith.constant 0 : i32
      %dma_wait3A_611 = tpu.memref_slice %arg6[%run_scoped3A_20, %dma_wait3A_610] : memref<4x128xi32, #tpu.memory_space<vmem>> -> memref<1x128xi32, #tpu.memory_space<vmem>>
      %dma_wait3A_612 = tpu.memref_squeeze %dma_wait3A_611 : memref<1x128xi32, #tpu.memory_space<vmem>> -> memref<128xi32, #tpu.memory_space<vmem>>
      %dma_wait3A_613 = tpu.memref_slice %arg2[%mul3A_19] : memref<16384xi32, #tpu.memory_space<hbm>> -> memref<128xi32, #tpu.memory_space<hbm>>
      %dma_wait3A_614 = arith.constant 0 : i32
      %dma_wait3A_615 = tpu.memref_slice %arg6[%run_scoped3A_20, %dma_wait3A_614] : memref<4x128xi32, #tpu.memory_space<vmem>> -> memref<1x128xi32, #tpu.memory_space<vmem>>
      %dma_wait3A_616 = tpu.memref_squeeze %dma_wait3A_615 : memref<1x128xi32, #tpu.memory_space<vmem>> -> memref<128xi32, #tpu.memory_space<vmem>>
      %dma_wait3A_617 = tpu.memref_slice %arg2[%mul3A_19] : memref<16384xi32, #tpu.memory_space<hbm>> -> memref<128xi32, #tpu.memory_space<hbm>>
      tpu.wait_dma2 semaphore(%run_scoped3A_601 : memref<!tpu.dma_semaphore, #tpu.memory_space<semaphore_mem>>) src(%dma_wait3A_617 : memref<128xi32, #tpu.memory_space<hbm>>) dst(%dma_wait3A_616 : memref<128xi32, #tpu.memory_space<vmem>>)
      tpu.yield
    }) : () -> ()
    %mul3A_21 = arith.constant 4 : i32
    %mul3A_22 = arith.muli %add3A, %mul3A_21 : i32
    %add3A_23 = arith.constant 3 : i32
    %add3A_24 = arith.addi %mul3A_22, %add3A_23 : i32
    %mul3A_25 = arith.constant 128 : i32
    %mul3A_26 = arith.muli %add3A_24, %mul3A_25 : i32
    %run_scoped3A_27 = arith.constant 3 : i32
    "tpu.region"() ({
      %run_scoped3A_601 = tpu.sem_alloc : memref<!tpu.dma_semaphore, #tpu.memory_space<semaphore_mem>>
      %dma_start3A_602 = arith.constant 0 : i32
      %dma_start3A_603 = tpu.memref_slice %arg6[%run_scoped3A_27, %dma_start3A_602] : memref<4x128xi32, #tpu.memory_space<vmem>> -> memref<1x128xi32, #tpu.memory_space<vmem>>
      %dma_start3A_604 = tpu.memref_squeeze %dma_start3A_603 : memref<1x128xi32, #tpu.memory_space<vmem>> -> memref<128xi32, #tpu.memory_space<vmem>>
      %dma_start3A_605 = tpu.memref_slice %arg2[%mul3A_26] : memref<16384xi32, #tpu.memory_space<hbm>> -> memref<128xi32, #tpu.memory_space<hbm>>
      %dma_start3A_606 = arith.constant 0 : i32
      %dma_start3A_607 = tpu.memref_slice %arg6[%run_scoped3A_27, %dma_start3A_606] : memref<4x128xi32, #tpu.memory_space<vmem>> -> memref<1x128xi32, #tpu.memory_space<vmem>>
      %dma_start3A_608 = tpu.memref_squeeze %dma_start3A_607 : memref<1x128xi32, #tpu.memory_space<vmem>> -> memref<128xi32, #tpu.memory_space<vmem>>
      %dma_start3A_609 = tpu.memref_slice %arg2[%mul3A_26] : memref<16384xi32, #tpu.memory_space<hbm>> -> memref<128xi32, #tpu.memory_space<hbm>>
      tpu.enqueue_dma source(%dma_start3A_609 : memref<128xi32, #tpu.memory_space<hbm>>) target(%dma_start3A_608 : memref<128xi32, #tpu.memory_space<vmem>>) target_semaphore(%run_scoped3A_601 : memref<!tpu.dma_semaphore, #tpu.memory_space<semaphore_mem>>)
      %dma_wait3A_610 = arith.constant 0 : i32
      %dma_wait3A_611 = tpu.memref_slice %arg6[%run_scoped3A_27, %dma_wait3A_610] : memref<4x128xi32, #tpu.memory_space<vmem>> -> memref<1x128xi32, #tpu.memory_space<vmem>>
      %dma_wait3A_612 = tpu.memref_squeeze %dma_wait3A_611 : memref<1x128xi32, #tpu.memory_space<vmem>> -> memref<128xi32, #tpu.memory_space<vmem>>
      %dma_wait3A_613 = tpu.memref_slice %arg2[%mul3A_26] : memref<16384xi32, #tpu.memory_space<hbm>> -> memref<128xi32, #tpu.memory_space<hbm>>
      %dma_wait3A_614 = arith.constant 0 : i32
      %dma_wait3A_615 = tpu.memref_slice %arg6[%run_scoped3A_27, %dma_wait3A_614] : memref<4x128xi32, #tpu.memory_space<vmem>> -> memref<1x128xi32, #tpu.memory_space<vmem>>
      %dma_wait3A_616 = tpu.memref_squeeze %dma_wait3A_615 : memref<1x128xi32, #tpu.memory_space<vmem>> -> memref<128xi32, #tpu.memory_space<vmem>>
      %dma_wait3A_617 = tpu.memref_slice %arg2[%mul3A_26] : memref<16384xi32, #tpu.memory_space<hbm>> -> memref<128xi32, #tpu.memory_space<hbm>>
      tpu.wait_dma2 semaphore(%run_scoped3A_601 : memref<!tpu.dma_semaphore, #tpu.memory_space<semaphore_mem>>) src(%dma_wait3A_617 : memref<128xi32, #tpu.memory_space<hbm>>) dst(%dma_wait3A_616 : memref<128xi32, #tpu.memory_space<vmem>>)
      tpu.yield
    }) : () -> ()
    %broadcast_in_dim3A = arith.constant 53248 : i32
    %broadcast_in_dim3A_28 = vector.broadcast %broadcast_in_dim3A : i32 to vector<16xi32>
    %broadcast_in_dim3A_29 = arith.constant 47104 : i32
    %broadcast_in_dim3A_30 = vector.broadcast %broadcast_in_dim3A_29 : i32 to vector<16xi32>
    %get3A = arith.constant 0 : i32
    %get3A_31 = arith.index_cast %get3A : i32 to index
    %get3A_32 = arith.constant 0 : index
    %get3A_33 = tpu.vector_load %arg6[%get3A_31, %get3A_32] {strides = array<i32>} : memref<4x128xi32, #tpu.memory_space<vmem>>, vector<16xi32>,
    %ge3A = arith.cmpi sge, %get3A_33, %broadcast_in_dim3A_28 : vector<16xi32>
    %sub3A = arith.subi %get3A_33, %broadcast_in_dim3A_30 : vector<16xi32>
    %select_n3A = arith.select %ge3A, %sub3A, %get3A_33 : vector<16xi1>, vector<16xi32>
    %swap3A = arith.constant 0 : i32
    %swap3A_34 = arith.index_cast %swap3A : i32 to index
    %swap3A_35 = arith.constant 0 : index
    %swap3A_36 = tpu.vector_load %arg7[%swap3A_34, %swap3A_35] {strides = array<i32>} : memref<4x128xi32, #tpu.memory_space<vmem>>, vector<16xi32>,
    tpu.vector_store %arg7[%swap3A_34, %swap3A_35], %select_n3A {strides = array<i32>} : memref<4x128xi32, #tpu.memory_space<vmem>>, vector<16xi32>,
    %get3A_37 = arith.constant 0 : i32
    %get3A_38 = arith.index_cast %get3A_37 : i32 to index
    %get3A_39 = arith.constant 16 : index
    %get3A_40 = tpu.vector_load %arg6[%get3A_38, %get3A_39] {strides = array<i32>} : memref<4x128xi32, #tpu.memory_space<vmem>>, vector<16xi32>,
    %ge3A_41 = arith.cmpi sge, %get3A_40, %broadcast_in_dim3A_28 : vector<16xi32>
    %sub3A_42 = arith.subi %get3A_40, %broadcast_in_dim3A_30 : vector<16xi32>
    %select_n3A_43 = arith.select %ge3A_41, %sub3A_42, %get3A_40 : vector<16xi1>, vector<16xi32>
    %swap3A_44 = arith.constant 0 : i32
    %swap3A_45 = arith.index_cast %swap3A_44 : i32 to index
    %swap3A_46 = arith.constant 16 : index
    %swap3A_47 = tpu.vector_load %arg7[%swap3A_45, %swap3A_46] {strides = array<i32>} : memref<4x128xi32, #tpu.memory_space<vmem>>, vector<16xi32>,
    tpu.vector_store %arg7[%swap3A_45, %swap3A_46], %select_n3A_43 {strides = array<i32>} : memref<4x128xi32, #tpu.memory_space<vmem>>, vector<16xi32>,
    %get3A_48 = arith.constant 0 : i32
    %get3A_49 = arith.index_cast %get3A_48 : i32 to index
    %get3A_50 = arith.constant 32 : index
    %get3A_51 = tpu.vector_load %arg6[%get3A_49, %get3A_50] {strides = array<i32>} : memref<4x128xi32, #tpu.memory_space<vmem>>, vector<16xi32>,
    %ge3A_52 = arith.cmpi sge, %get3A_51, %broadcast_in_dim3A_28 : vector<16xi32>
    %sub3A_53 = arith.subi %get3A_51, %broadcast_in_dim3A_30 : vector<16xi32>
    %select_n3A_54 = arith.select %ge3A_52, %sub3A_53, %get3A_51 : vector<16xi1>, vector<16xi32>
    %swap3A_55 = arith.constant 0 : i32
    %swap3A_56 = arith.index_cast %swap3A_55 : i32 to index
    %swap3A_57 = arith.constant 32 : index
    %swap3A_58 = tpu.vector_load %arg7[%swap3A_56, %swap3A_57] {strides = array<i32>} : memref<4x128xi32, #tpu.memory_space<vmem>>, vector<16xi32>,
    tpu.vector_store %arg7[%swap3A_56, %swap3A_57], %select_n3A_54 {strides = array<i32>} : memref<4x128xi32, #tpu.memory_space<vmem>>, vector<16xi32>,
    %get3A_59 = arith.constant 0 : i32
    %get3A_60 = arith.index_cast %get3A_59 : i32 to index
    %get3A_61 = arith.constant 48 : index
    %get3A_62 = tpu.vector_load %arg6[%get3A_60, %get3A_61] {strides = array<i32>} : memref<4x128xi32, #tpu.memory_space<vmem>>, vector<16xi32>,
    %ge3A_63 = arith.cmpi sge, %get3A_62, %broadcast_in_dim3A_28 : vector<16xi32>
    %sub3A_64 = arith.subi %get3A_62, %broadcast_in_dim3A_30 : vector<16xi32>
    %select_n3A_65 = arith.select %ge3A_63, %sub3A_64, %get3A_62 : vector<16xi1>, vector<16xi32>
    %swap3A_66 = arith.constant 0 : i32
    %swap3A_67 = arith.index_cast %swap3A_66 : i32 to index
    %swap3A_68 = arith.constant 48 : index
    %swap3A_69 = tpu.vector_load %arg7[%swap3A_67, %swap3A_68] {strides = array<i32>} : memref<4x128xi32, #tpu.memory_space<vmem>>, vector<16xi32>,
    tpu.vector_store %arg7[%swap3A_67, %swap3A_68], %select_n3A_65 {strides = array<i32>} : memref<4x128xi32, #tpu.memory_space<vmem>>, vector<16xi32>,
    %get3A_70 = arith.constant 0 : i32
    %get3A_71 = arith.index_cast %get3A_70 : i32 to index
    %get3A_72 = arith.constant 64 : index
    %get3A_73 = tpu.vector_load %arg6[%get3A_71, %get3A_72] {strides = array<i32>} : memref<4x128xi32, #tpu.memory_space<vmem>>, vector<16xi32>,
    %ge3A_74 = arith.cmpi sge, %get3A_73, %broadcast_in_dim3A_28 : vector<16xi32>
    %sub3A_75 = arith.subi %get3A_73, %broadcast_in_dim3A_30 : vector<16xi32>
    %select_n3A_76 = arith.select %ge3A_74, %sub3A_75, %get3A_73 : vector<16xi1>, vector<16xi32>
    %swap3A_77 = arith.constant 0 : i32
    %swap3A_78 = arith.index_cast %swap3A_77 : i32 to index
    %swap3A_79 = arith.constant 64 : index
    %swap3A_80 = tpu.vector_load %arg7[%swap3A_78, %swap3A_79] {strides = array<i32>} : memref<4x128xi32, #tpu.memory_space<vmem>>, vector<16xi32>,
    tpu.vector_store %arg7[%swap3A_78, %swap3A_79], %select_n3A_76 {strides = array<i32>} : memref<4x128xi32, #tpu.memory_space<vmem>>, vector<16xi32>,
    %get3A_81 = arith.constant 0 : i32
    %get3A_82 = arith.index_cast %get3A_81 : i32 to index
    %get3A_83 = arith.constant 80 : index
    %get3A_84 = tpu.vector_load %arg6[%get3A_82, %get3A_83] {strides = array<i32>} : memref<4x128xi32, #tpu.memory_space<vmem>>, vector<16xi32>,
    %ge3A_85 = arith.cmpi sge, %get3A_84, %broadcast_in_dim3A_28 : vector<16xi32>
    %sub3A_86 = arith.subi %get3A_84, %broadcast_in_dim3A_30 : vector<16xi32>
    %select_n3A_87 = arith.select %ge3A_85, %sub3A_86, %get3A_84 : vector<16xi1>, vector<16xi32>
    %swap3A_88 = arith.constant 0 : i32
    %swap3A_89 = arith.index_cast %swap3A_88 : i32 to index
    %swap3A_90 = arith.constant 80 : index
    %swap3A_91 = tpu.vector_load %arg7[%swap3A_89, %swap3A_90] {strides = array<i32>} : memref<4x128xi32, #tpu.memory_space<vmem>>, vector<16xi32>,
    tpu.vector_store %arg7[%swap3A_89, %swap3A_90], %select_n3A_87 {strides = array<i32>} : memref<4x128xi32, #tpu.memory_space<vmem>>, vector<16xi32>,
    %get3A_92 = arith.constant 0 : i32
    %get3A_93 = arith.index_cast %get3A_92 : i32 to index
    %get3A_94 = arith.constant 96 : index
    %get3A_95 = tpu.vector_load %arg6[%get3A_93, %get3A_94] {strides = array<i32>} : memref<4x128xi32, #tpu.memory_space<vmem>>, vector<16xi32>,
    %ge3A_96 = arith.cmpi sge, %get3A_95, %broadcast_in_dim3A_28 : vector<16xi32>
    %sub3A_97 = arith.subi %get3A_95, %broadcast_in_dim3A_30 : vector<16xi32>
    %select_n3A_98 = arith.select %ge3A_96, %sub3A_97, %get3A_95 : vector<16xi1>, vector<16xi32>
    %swap3A_99 = arith.constant 0 : i32
    %swap3A_100 = arith.index_cast %swap3A_99 : i32 to index
    %swap3A_101 = arith.constant 96 : index
    %swap3A_102 = tpu.vector_load %arg7[%swap3A_100, %swap3A_101] {strides = array<i32>} : memref<4x128xi32, #tpu.memory_space<vmem>>, vector<16xi32>,
    tpu.vector_store %arg7[%swap3A_100, %swap3A_101], %select_n3A_98 {strides = array<i32>} : memref<4x128xi32, #tpu.memory_space<vmem>>, vector<16xi32>,
    %get3A_103 = arith.constant 0 : i32
    %get3A_104 = arith.index_cast %get3A_103 : i32 to index
    %get3A_105 = arith.constant 112 : index
    %get3A_106 = tpu.vector_load %arg6[%get3A_104, %get3A_105] {strides = array<i32>} : memref<4x128xi32, #tpu.memory_space<vmem>>, vector<16xi32>,
    %ge3A_107 = arith.cmpi sge, %get3A_106, %broadcast_in_dim3A_28 : vector<16xi32>
    %sub3A_108 = arith.subi %get3A_106, %broadcast_in_dim3A_30 : vector<16xi32>
    %select_n3A_109 = arith.select %ge3A_107, %sub3A_108, %get3A_106 : vector<16xi1>, vector<16xi32>
    %swap3A_110 = arith.constant 0 : i32
    %swap3A_111 = arith.index_cast %swap3A_110 : i32 to index
    %swap3A_112 = arith.constant 112 : index
    %swap3A_113 = tpu.vector_load %arg7[%swap3A_111, %swap3A_112] {strides = array<i32>} : memref<4x128xi32, #tpu.memory_space<vmem>>, vector<16xi32>,
    tpu.vector_store %arg7[%swap3A_111, %swap3A_112], %select_n3A_109 {strides = array<i32>} : memref<4x128xi32, #tpu.memory_space<vmem>>, vector<16xi32>,
    %get3A_114 = arith.constant 1 : i32
    %get3A_115 = arith.index_cast %get3A_114 : i32 to index
    %get3A_116 = arith.constant 0 : index
    %get3A_117 = tpu.vector_load %arg6[%get3A_115, %get3A_116] {strides = array<i32>} : memref<4x128xi32, #tpu.memory_space<vmem>>, vector<16xi32>,
    %ge3A_118 = arith.cmpi sge, %get3A_117, %broadcast_in_dim3A_28 : vector<16xi32>
    %sub3A_119 = arith.subi %get3A_117, %broadcast_in_dim3A_30 : vector<16xi32>
    %select_n3A_120 = arith.select %ge3A_118, %sub3A_119, %get3A_117 : vector<16xi1>, vector<16xi32>
    %swap3A_121 = arith.constant 1 : i32
    %swap3A_122 = arith.index_cast %swap3A_121 : i32 to index
    %swap3A_123 = arith.constant 0 : index
    %swap3A_124 = tpu.vector_load %arg7[%swap3A_122, %swap3A_123] {strides = array<i32>} : memref<4x128xi32, #tpu.memory_space<vmem>>, vector<16xi32>,
    tpu.vector_store %arg7[%swap3A_122, %swap3A_123], %select_n3A_120 {strides = array<i32>} : memref<4x128xi32, #tpu.memory_space<vmem>>, vector<16xi32>,
    %get3A_125 = arith.constant 1 : i32
    %get3A_126 = arith.index_cast %get3A_125 : i32 to index
    %get3A_127 = arith.constant 16 : index
    %get3A_128 = tpu.vector_load %arg6[%get3A_126, %get3A_127] {strides = array<i32>} : memref<4x128xi32, #tpu.memory_space<vmem>>, vector<16xi32>,
    %ge3A_129 = arith.cmpi sge, %get3A_128, %broadcast_in_dim3A_28 : vector<16xi32>
    %sub3A_130 = arith.subi %get3A_128, %broadcast_in_dim3A_30 : vector<16xi32>
    %select_n3A_131 = arith.select %ge3A_129, %sub3A_130, %get3A_128 : vector<16xi1>, vector<16xi32>
    %swap3A_132 = arith.constant 1 : i32
    %swap3A_133 = arith.index_cast %swap3A_132 : i32 to index
    %swap3A_134 = arith.constant 16 : index
    %swap3A_135 = tpu.vector_load %arg7[%swap3A_133, %swap3A_134] {strides = array<i32>} : memref<4x128xi32, #tpu.memory_space<vmem>>, vector<16xi32>,
    tpu.vector_store %arg7[%swap3A_133, %swap3A_134], %select_n3A_131 {strides = array<i32>} : memref<4x128xi32, #tpu.memory_space<vmem>>, vector<16xi32>,
    %get3A_136 = arith.constant 1 : i32
    %get3A_137 = arith.index_cast %get3A_136 : i32 to index
    %get3A_138 = arith.constant 32 : index
    %get3A_139 = tpu.vector_load %arg6[%get3A_137, %get3A_138] {strides = array<i32>} : memref<4x128xi32, #tpu.memory_space<vmem>>, vector<16xi32>,
    %ge3A_140 = arith.cmpi sge, %get3A_139, %broadcast_in_dim3A_28 : vector<16xi32>
    %sub3A_141 = arith.subi %get3A_139, %broadcast_in_dim3A_30 : vector<16xi32>
    %select_n3A_142 = arith.select %ge3A_140, %sub3A_141, %get3A_139 : vector<16xi1>, vector<16xi32>
    %swap3A_143 = arith.constant 1 : i32
    %swap3A_144 = arith.index_cast %swap3A_143 : i32 to index
    %swap3A_145 = arith.constant 32 : index
    %swap3A_146 = tpu.vector_load %arg7[%swap3A_144, %swap3A_145] {strides = array<i32>} : memref<4x128xi32, #tpu.memory_space<vmem>>, vector<16xi32>,
    tpu.vector_store %arg7[%swap3A_144, %swap3A_145], %select_n3A_142 {strides = array<i32>} : memref<4x128xi32, #tpu.memory_space<vmem>>, vector<16xi32>,
    %get3A_147 = arith.constant 1 : i32
    %get3A_148 = arith.index_cast %get3A_147 : i32 to index
    %get3A_149 = arith.constant 48 : index
    %get3A_150 = tpu.vector_load %arg6[%get3A_148, %get3A_149] {strides = array<i32>} : memref<4x128xi32, #tpu.memory_space<vmem>>, vector<16xi32>,
    %ge3A_151 = arith.cmpi sge, %get3A_150, %broadcast_in_dim3A_28 : vector<16xi32>
    %sub3A_152 = arith.subi %get3A_150, %broadcast_in_dim3A_30 : vector<16xi32>
    %select_n3A_153 = arith.select %ge3A_151, %sub3A_152, %get3A_150 : vector<16xi1>, vector<16xi32>
    %swap3A_154 = arith.constant 1 : i32
    %swap3A_155 = arith.index_cast %swap3A_154 : i32 to index
    %swap3A_156 = arith.constant 48 : index
    %swap3A_157 = tpu.vector_load %arg7[%swap3A_155, %swap3A_156] {strides = array<i32>} : memref<4x128xi32, #tpu.memory_space<vmem>>, vector<16xi32>,
    tpu.vector_store %arg7[%swap3A_155, %swap3A_156], %select_n3A_153 {strides = array<i32>} : memref<4x128xi32, #tpu.memory_space<vmem>>, vector<16xi32>,
    %get3A_158 = arith.constant 1 : i32
    %get3A_159 = arith.index_cast %get3A_158 : i32 to index
    %get3A_160 = arith.constant 64 : index
    %get3A_161 = tpu.vector_load %arg6[%get3A_159, %get3A_160] {strides = array<i32>} : memref<4x128xi32, #tpu.memory_space<vmem>>, vector<16xi32>,
    %ge3A_162 = arith.cmpi sge, %get3A_161, %broadcast_in_dim3A_28 : vector<16xi32>
    %sub3A_163 = arith.subi %get3A_161, %broadcast_in_dim3A_30 : vector<16xi32>
    %select_n3A_164 = arith.select %ge3A_162, %sub3A_163, %get3A_161 : vector<16xi1>, vector<16xi32>
    %swap3A_165 = arith.constant 1 : i32
    %swap3A_166 = arith.index_cast %swap3A_165 : i32 to index
    %swap3A_167 = arith.constant 64 : index
    %swap3A_168 = tpu.vector_load %arg7[%swap3A_166, %swap3A_167] {strides = array<i32>} : memref<4x128xi32, #tpu.memory_space<vmem>>, vector<16xi32>,
    tpu.vector_store %arg7[%swap3A_166, %swap3A_167], %select_n3A_164 {strides = array<i32>} : memref<4x128xi32, #tpu.memory_space<vmem>>, vector<16xi32>,
    %get3A_169 = arith.constant 1 : i32
    %get3A_170 = arith.index_cast %get3A_169 : i32 to index
    %get3A_171 = arith.constant 80 : index
    %get3A_172 = tpu.vector_load %arg6[%get3A_170, %get3A_171] {strides = array<i32>} : memref<4x128xi32, #tpu.memory_space<vmem>>, vector<16xi32>,
    %ge3A_173 = arith.cmpi sge, %get3A_172, %broadcast_in_dim3A_28 : vector<16xi32>
    %sub3A_174 = arith.subi %get3A_172, %broadcast_in_dim3A_30 : vector<16xi32>
    %select_n3A_175 = arith.select %ge3A_173, %sub3A_174, %get3A_172 : vector<16xi1>, vector<16xi32>
    %swap3A_176 = arith.constant 1 : i32
    %swap3A_177 = arith.index_cast %swap3A_176 : i32 to index
    %swap3A_178 = arith.constant 80 : index
    %swap3A_179 = tpu.vector_load %arg7[%swap3A_177, %swap3A_178] {strides = array<i32>} : memref<4x128xi32, #tpu.memory_space<vmem>>, vector<16xi32>,
    tpu.vector_store %arg7[%swap3A_177, %swap3A_178], %select_n3A_175 {strides = array<i32>} : memref<4x128xi32, #tpu.memory_space<vmem>>, vector<16xi32>,
    %get3A_180 = arith.constant 1 : i32
    %get3A_181 = arith.index_cast %get3A_180 : i32 to index
    %get3A_182 = arith.constant 96 : index
    %get3A_183 = tpu.vector_load %arg6[%get3A_181, %get3A_182] {strides = array<i32>} : memref<4x128xi32, #tpu.memory_space<vmem>>, vector<16xi32>,
    %ge3A_184 = arith.cmpi sge, %get3A_183, %broadcast_in_dim3A_28 : vector<16xi32>
    %sub3A_185 = arith.subi %get3A_183, %broadcast_in_dim3A_30 : vector<16xi32>
    %select_n3A_186 = arith.select %ge3A_184, %sub3A_185, %get3A_183 : vector<16xi1>, vector<16xi32>
    %swap3A_187 = arith.constant 1 : i32
    %swap3A_188 = arith.index_cast %swap3A_187 : i32 to index
    %swap3A_189 = arith.constant 96 : index
    %swap3A_190 = tpu.vector_load %arg7[%swap3A_188, %swap3A_189] {strides = array<i32>} : memref<4x128xi32, #tpu.memory_space<vmem>>, vector<16xi32>,
    tpu.vector_store %arg7[%swap3A_188, %swap3A_189], %select_n3A_186 {strides = array<i32>} : memref<4x128xi32, #tpu.memory_space<vmem>>, vector<16xi32>,
    %get3A_191 = arith.constant 1 : i32
    %get3A_192 = arith.index_cast %get3A_191 : i32 to index
    %get3A_193 = arith.constant 112 : index
    %get3A_194 = tpu.vector_load %arg6[%get3A_192, %get3A_193] {strides = array<i32>} : memref<4x128xi32, #tpu.memory_space<vmem>>, vector<16xi32>,
    %ge3A_195 = arith.cmpi sge, %get3A_194, %broadcast_in_dim3A_28 : vector<16xi32>
    %sub3A_196 = arith.subi %get3A_194, %broadcast_in_dim3A_30 : vector<16xi32>
    %select_n3A_197 = arith.select %ge3A_195, %sub3A_196, %get3A_194 : vector<16xi1>, vector<16xi32>
    %swap3A_198 = arith.constant 1 : i32
    %swap3A_199 = arith.index_cast %swap3A_198 : i32 to index
    %swap3A_200 = arith.constant 112 : index
    %swap3A_201 = tpu.vector_load %arg7[%swap3A_199, %swap3A_200] {strides = array<i32>} : memref<4x128xi32, #tpu.memory_space<vmem>>, vector<16xi32>,
    tpu.vector_store %arg7[%swap3A_199, %swap3A_200], %select_n3A_197 {strides = array<i32>} : memref<4x128xi32, #tpu.memory_space<vmem>>, vector<16xi32>,
    %get3A_202 = arith.constant 2 : i32
    %get3A_203 = arith.index_cast %get3A_202 : i32 to index
    %get3A_204 = arith.constant 0 : index
    %get3A_205 = tpu.vector_load %arg6[%get3A_203, %get3A_204] {strides = array<i32>} : memref<4x128xi32, #tpu.memory_space<vmem>>, vector<16xi32>,
    %ge3A_206 = arith.cmpi sge, %get3A_205, %broadcast_in_dim3A_28 : vector<16xi32>
    %sub3A_207 = arith.subi %get3A_205, %broadcast_in_dim3A_30 : vector<16xi32>
    %select_n3A_208 = arith.select %ge3A_206, %sub3A_207, %get3A_205 : vector<16xi1>, vector<16xi32>
    %swap3A_209 = arith.constant 2 : i32
    %swap3A_210 = arith.index_cast %swap3A_209 : i32 to index
    %swap3A_211 = arith.constant 0 : index
    %swap3A_212 = tpu.vector_load %arg7[%swap3A_210, %swap3A_211] {strides = array<i32>} : memref<4x128xi32, #tpu.memory_space<vmem>>, vector<16xi32>,
    tpu.vector_store %arg7[%swap3A_210, %swap3A_211], %select_n3A_208 {strides = array<i32>} : memref<4x128xi32, #tpu.memory_space<vmem>>, vector<16xi32>,
    %get3A_213 = arith.constant 2 : i32
    %get3A_214 = arith.index_cast %get3A_213 : i32 to index
    %get3A_215 = arith.constant 16 : index
    %get3A_216 = tpu.vector_load %arg6[%get3A_214, %get3A_215] {strides = array<i32>} : memref<4x128xi32, #tpu.memory_space<vmem>>, vector<16xi32>,
    %ge3A_217 = arith.cmpi sge, %get3A_216, %broadcast_in_dim3A_28 : vector<16xi32>
    %sub3A_218 = arith.subi %get3A_216, %broadcast_in_dim3A_30 : vector<16xi32>
    %select_n3A_219 = arith.select %ge3A_217, %sub3A_218, %get3A_216 : vector<16xi1>, vector<16xi32>
    %swap3A_220 = arith.constant 2 : i32
    %swap3A_221 = arith.index_cast %swap3A_220 : i32 to index
    %swap3A_222 = arith.constant 16 : index
    %swap3A_223 = tpu.vector_load %arg7[%swap3A_221, %swap3A_222] {strides = array<i32>} : memref<4x128xi32, #tpu.memory_space<vmem>>, vector<16xi32>,
    tpu.vector_store %arg7[%swap3A_221, %swap3A_222], %select_n3A_219 {strides = array<i32>} : memref<4x128xi32, #tpu.memory_space<vmem>>, vector<16xi32>,
    %get3A_224 = arith.constant 2 : i32
    %get3A_225 = arith.index_cast %get3A_224 : i32 to index
    %get3A_226 = arith.constant 32 : index
    %get3A_227 = tpu.vector_load %arg6[%get3A_225, %get3A_226] {strides = array<i32>} : memref<4x128xi32, #tpu.memory_space<vmem>>, vector<16xi32>,
    %ge3A_228 = arith.cmpi sge, %get3A_227, %broadcast_in_dim3A_28 : vector<16xi32>
    %sub3A_229 = arith.subi %get3A_227, %broadcast_in_dim3A_30 : vector<16xi32>
    %select_n3A_230 = arith.select %ge3A_228, %sub3A_229, %get3A_227 : vector<16xi1>, vector<16xi32>
    %swap3A_231 = arith.constant 2 : i32
    %swap3A_232 = arith.index_cast %swap3A_231 : i32 to index
    %swap3A_233 = arith.constant 32 : index
    %swap3A_234 = tpu.vector_load %arg7[%swap3A_232, %swap3A_233] {strides = array<i32>} : memref<4x128xi32, #tpu.memory_space<vmem>>, vector<16xi32>,
    tpu.vector_store %arg7[%swap3A_232, %swap3A_233], %select_n3A_230 {strides = array<i32>} : memref<4x128xi32, #tpu.memory_space<vmem>>, vector<16xi32>,
    %get3A_235 = arith.constant 2 : i32
    %get3A_236 = arith.index_cast %get3A_235 : i32 to index
    %get3A_237 = arith.constant 48 : index
    %get3A_238 = tpu.vector_load %arg6[%get3A_236, %get3A_237] {strides = array<i32>} : memref<4x128xi32, #tpu.memory_space<vmem>>, vector<16xi32>,
    %ge3A_239 = arith.cmpi sge, %get3A_238, %broadcast_in_dim3A_28 : vector<16xi32>
    %sub3A_240 = arith.subi %get3A_238, %broadcast_in_dim3A_30 : vector<16xi32>
    %select_n3A_241 = arith.select %ge3A_239, %sub3A_240, %get3A_238 : vector<16xi1>, vector<16xi32>
    %swap3A_242 = arith.constant 2 : i32
    %swap3A_243 = arith.index_cast %swap3A_242 : i32 to index
    %swap3A_244 = arith.constant 48 : index
    %swap3A_245 = tpu.vector_load %arg7[%swap3A_243, %swap3A_244] {strides = array<i32>} : memref<4x128xi32, #tpu.memory_space<vmem>>, vector<16xi32>,
    tpu.vector_store %arg7[%swap3A_243, %swap3A_244], %select_n3A_241 {strides = array<i32>} : memref<4x128xi32, #tpu.memory_space<vmem>>, vector<16xi32>,
    %get3A_246 = arith.constant 2 : i32
    %get3A_247 = arith.index_cast %get3A_246 : i32 to index
    %get3A_248 = arith.constant 64 : index
    %get3A_249 = tpu.vector_load %arg6[%get3A_247, %get3A_248] {strides = array<i32>} : memref<4x128xi32, #tpu.memory_space<vmem>>, vector<16xi32>,
    %ge3A_250 = arith.cmpi sge, %get3A_249, %broadcast_in_dim3A_28 : vector<16xi32>
    %sub3A_251 = arith.subi %get3A_249, %broadcast_in_dim3A_30 : vector<16xi32>
    %select_n3A_252 = arith.select %ge3A_250, %sub3A_251, %get3A_249 : vector<16xi1>, vector<16xi32>
    %swap3A_253 = arith.constant 2 : i32
    %swap3A_254 = arith.index_cast %swap3A_253 : i32 to index
    %swap3A_255 = arith.constant 64 : index
    %swap3A_256 = tpu.vector_load %arg7[%swap3A_254, %swap3A_255] {strides = array<i32>} : memref<4x128xi32, #tpu.memory_space<vmem>>, vector<16xi32>,
    tpu.vector_store %arg7[%swap3A_254, %swap3A_255], %select_n3A_252 {strides = array<i32>} : memref<4x128xi32, #tpu.memory_space<vmem>>, vector<16xi32>,
    %get3A_257 = arith.constant 2 : i32
    %get3A_258 = arith.index_cast %get3A_257 : i32 to index
    %get3A_259 = arith.constant 80 : index
    %get3A_260 = tpu.vector_load %arg6[%get3A_258, %get3A_259] {strides = array<i32>} : memref<4x128xi32, #tpu.memory_space<vmem>>, vector<16xi32>,
    %ge3A_261 = arith.cmpi sge, %get3A_260, %broadcast_in_dim3A_28 : vector<16xi32>
    %sub3A_262 = arith.subi %get3A_260, %broadcast_in_dim3A_30 : vector<16xi32>
    %select_n3A_263 = arith.select %ge3A_261, %sub3A_262, %get3A_260 : vector<16xi1>, vector<16xi32>
    %swap3A_264 = arith.constant 2 : i32
    %swap3A_265 = arith.index_cast %swap3A_264 : i32 to index
    %swap3A_266 = arith.constant 80 : index
    %swap3A_267 = tpu.vector_load %arg7[%swap3A_265, %swap3A_266] {strides = array<i32>} : memref<4x128xi32, #tpu.memory_space<vmem>>, vector<16xi32>,
    tpu.vector_store %arg7[%swap3A_265, %swap3A_266], %select_n3A_263 {strides = array<i32>} : memref<4x128xi32, #tpu.memory_space<vmem>>, vector<16xi32>,
    %get3A_268 = arith.constant 2 : i32
    %get3A_269 = arith.index_cast %get3A_268 : i32 to index
    %get3A_270 = arith.constant 96 : index
    %get3A_271 = tpu.vector_load %arg6[%get3A_269, %get3A_270] {strides = array<i32>} : memref<4x128xi32, #tpu.memory_space<vmem>>, vector<16xi32>,
    %ge3A_272 = arith.cmpi sge, %get3A_271, %broadcast_in_dim3A_28 : vector<16xi32>
    %sub3A_273 = arith.subi %get3A_271, %broadcast_in_dim3A_30 : vector<16xi32>
    %select_n3A_274 = arith.select %ge3A_272, %sub3A_273, %get3A_271 : vector<16xi1>, vector<16xi32>
    %swap3A_275 = arith.constant 2 : i32
    %swap3A_276 = arith.index_cast %swap3A_275 : i32 to index
    %swap3A_277 = arith.constant 96 : index
    %swap3A_278 = tpu.vector_load %arg7[%swap3A_276, %swap3A_277] {strides = array<i32>} : memref<4x128xi32, #tpu.memory_space<vmem>>, vector<16xi32>,
    tpu.vector_store %arg7[%swap3A_276, %swap3A_277], %select_n3A_274 {strides = array<i32>} : memref<4x128xi32, #tpu.memory_space<vmem>>, vector<16xi32>,
    %get3A_279 = arith.constant 2 : i32
    %get3A_280 = arith.index_cast %get3A_279 : i32 to index
    %get3A_281 = arith.constant 112 : index
    %get3A_282 = tpu.vector_load %arg6[%get3A_280, %get3A_281] {strides = array<i32>} : memref<4x128xi32, #tpu.memory_space<vmem>>, vector<16xi32>,
    %ge3A_283 = arith.cmpi sge, %get3A_282, %broadcast_in_dim3A_28 : vector<16xi32>
    %sub3A_284 = arith.subi %get3A_282, %broadcast_in_dim3A_30 : vector<16xi32>
    %select_n3A_285 = arith.select %ge3A_283, %sub3A_284, %get3A_282 : vector<16xi1>, vector<16xi32>
    %swap3A_286 = arith.constant 2 : i32
    %swap3A_287 = arith.index_cast %swap3A_286 : i32 to index
    %swap3A_288 = arith.constant 112 : index
    %swap3A_289 = tpu.vector_load %arg7[%swap3A_287, %swap3A_288] {strides = array<i32>} : memref<4x128xi32, #tpu.memory_space<vmem>>, vector<16xi32>,
    tpu.vector_store %arg7[%swap3A_287, %swap3A_288], %select_n3A_285 {strides = array<i32>} : memref<4x128xi32, #tpu.memory_space<vmem>>, vector<16xi32>,
    %get3A_290 = arith.constant 3 : i32
    %get3A_291 = arith.index_cast %get3A_290 : i32 to index
    %get3A_292 = arith.constant 0 : index
    %get3A_293 = tpu.vector_load %arg6[%get3A_291, %get3A_292] {strides = array<i32>} : memref<4x128xi32, #tpu.memory_space<vmem>>, vector<16xi32>,
    %ge3A_294 = arith.cmpi sge, %get3A_293, %broadcast_in_dim3A_28 : vector<16xi32>
    %sub3A_295 = arith.subi %get3A_293, %broadcast_in_dim3A_30 : vector<16xi32>
    %select_n3A_296 = arith.select %ge3A_294, %sub3A_295, %get3A_293 : vector<16xi1>, vector<16xi32>
    %swap3A_297 = arith.constant 3 : i32
    %swap3A_298 = arith.index_cast %swap3A_297 : i32 to index
    %swap3A_299 = arith.constant 0 : index
    %swap3A_300 = tpu.vector_load %arg7[%swap3A_298, %swap3A_299] {strides = array<i32>} : memref<4x128xi32, #tpu.memory_space<vmem>>, vector<16xi32>,
    tpu.vector_store %arg7[%swap3A_298, %swap3A_299], %select_n3A_296 {strides = array<i32>} : memref<4x128xi32, #tpu.memory_space<vmem>>, vector<16xi32>,
    %get3A_301 = arith.constant 3 : i32
    %get3A_302 = arith.index_cast %get3A_301 : i32 to index
    %get3A_303 = arith.constant 16 : index
    %get3A_304 = tpu.vector_load %arg6[%get3A_302, %get3A_303] {strides = array<i32>} : memref<4x128xi32, #tpu.memory_space<vmem>>, vector<16xi32>,
    %ge3A_305 = arith.cmpi sge, %get3A_304, %broadcast_in_dim3A_28 : vector<16xi32>
    %sub3A_306 = arith.subi %get3A_304, %broadcast_in_dim3A_30 : vector<16xi32>
    %select_n3A_307 = arith.select %ge3A_305, %sub3A_306, %get3A_304 : vector<16xi1>, vector<16xi32>
    %swap3A_308 = arith.constant 3 : i32
    %swap3A_309 = arith.index_cast %swap3A_308 : i32 to index
    %swap3A_310 = arith.constant 16 : index
    %swap3A_311 = tpu.vector_load %arg7[%swap3A_309, %swap3A_310] {strides = array<i32>} : memref<4x128xi32, #tpu.memory_space<vmem>>, vector<16xi32>,
    tpu.vector_store %arg7[%swap3A_309, %swap3A_310], %select_n3A_307 {strides = array<i32>} : memref<4x128xi32, #tpu.memory_space<vmem>>, vector<16xi32>,
    %get3A_312 = arith.constant 3 : i32
    %get3A_313 = arith.index_cast %get3A_312 : i32 to index
    %get3A_314 = arith.constant 32 : index
    %get3A_315 = tpu.vector_load %arg6[%get3A_313, %get3A_314] {strides = array<i32>} : memref<4x128xi32, #tpu.memory_space<vmem>>, vector<16xi32>,
    %ge3A_316 = arith.cmpi sge, %get3A_315, %broadcast_in_dim3A_28 : vector<16xi32>
    %sub3A_317 = arith.subi %get3A_315, %broadcast_in_dim3A_30 : vector<16xi32>
    %select_n3A_318 = arith.select %ge3A_316, %sub3A_317, %get3A_315 : vector<16xi1>, vector<16xi32>
    %swap3A_319 = arith.constant 3 : i32
    %swap3A_320 = arith.index_cast %swap3A_319 : i32 to index
    %swap3A_321 = arith.constant 32 : index
    %swap3A_322 = tpu.vector_load %arg7[%swap3A_320, %swap3A_321] {strides = array<i32>} : memref<4x128xi32, #tpu.memory_space<vmem>>, vector<16xi32>,
    tpu.vector_store %arg7[%swap3A_320, %swap3A_321], %select_n3A_318 {strides = array<i32>} : memref<4x128xi32, #tpu.memory_space<vmem>>, vector<16xi32>,
    %get3A_323 = arith.constant 3 : i32
    %get3A_324 = arith.index_cast %get3A_323 : i32 to index
    %get3A_325 = arith.constant 48 : index
    %get3A_326 = tpu.vector_load %arg6[%get3A_324, %get3A_325] {strides = array<i32>} : memref<4x128xi32, #tpu.memory_space<vmem>>, vector<16xi32>,
    %ge3A_327 = arith.cmpi sge, %get3A_326, %broadcast_in_dim3A_28 : vector<16xi32>
    %sub3A_328 = arith.subi %get3A_326, %broadcast_in_dim3A_30 : vector<16xi32>
    %select_n3A_329 = arith.select %ge3A_327, %sub3A_328, %get3A_326 : vector<16xi1>, vector<16xi32>
    %swap3A_330 = arith.constant 3 : i32
    %swap3A_331 = arith.index_cast %swap3A_330 : i32 to index
    %swap3A_332 = arith.constant 48 : index
    %swap3A_333 = tpu.vector_load %arg7[%swap3A_331, %swap3A_332] {strides = array<i32>} : memref<4x128xi32, #tpu.memory_space<vmem>>, vector<16xi32>,
    tpu.vector_store %arg7[%swap3A_331, %swap3A_332], %select_n3A_329 {strides = array<i32>} : memref<4x128xi32, #tpu.memory_space<vmem>>, vector<16xi32>,
    %get3A_334 = arith.constant 3 : i32
    %get3A_335 = arith.index_cast %get3A_334 : i32 to index
    %get3A_336 = arith.constant 64 : index
    %get3A_337 = tpu.vector_load %arg6[%get3A_335, %get3A_336] {strides = array<i32>} : memref<4x128xi32, #tpu.memory_space<vmem>>, vector<16xi32>,
    %ge3A_338 = arith.cmpi sge, %get3A_337, %broadcast_in_dim3A_28 : vector<16xi32>
    %sub3A_339 = arith.subi %get3A_337, %broadcast_in_dim3A_30 : vector<16xi32>
    %select_n3A_340 = arith.select %ge3A_338, %sub3A_339, %get3A_337 : vector<16xi1>, vector<16xi32>
    %swap3A_341 = arith.constant 3 : i32
    %swap3A_342 = arith.index_cast %swap3A_341 : i32 to index
    %swap3A_343 = arith.constant 64 : index
    %swap3A_344 = tpu.vector_load %arg7[%swap3A_342, %swap3A_343] {strides = array<i32>} : memref<4x128xi32, #tpu.memory_space<vmem>>, vector<16xi32>,
    tpu.vector_store %arg7[%swap3A_342, %swap3A_343], %select_n3A_340 {strides = array<i32>} : memref<4x128xi32, #tpu.memory_space<vmem>>, vector<16xi32>,
    %get3A_345 = arith.constant 3 : i32
    %get3A_346 = arith.index_cast %get3A_345 : i32 to index
    %get3A_347 = arith.constant 80 : index
    %get3A_348 = tpu.vector_load %arg6[%get3A_346, %get3A_347] {strides = array<i32>} : memref<4x128xi32, #tpu.memory_space<vmem>>, vector<16xi32>,
    %ge3A_349 = arith.cmpi sge, %get3A_348, %broadcast_in_dim3A_28 : vector<16xi32>
    %sub3A_350 = arith.subi %get3A_348, %broadcast_in_dim3A_30 : vector<16xi32>
    %select_n3A_351 = arith.select %ge3A_349, %sub3A_350, %get3A_348 : vector<16xi1>, vector<16xi32>
    %swap3A_352 = arith.constant 3 : i32
    %swap3A_353 = arith.index_cast %swap3A_352 : i32 to index
    %swap3A_354 = arith.constant 80 : index
    %swap3A_355 = tpu.vector_load %arg7[%swap3A_353, %swap3A_354] {strides = array<i32>} : memref<4x128xi32, #tpu.memory_space<vmem>>, vector<16xi32>,
    tpu.vector_store %arg7[%swap3A_353, %swap3A_354], %select_n3A_351 {strides = array<i32>} : memref<4x128xi32, #tpu.memory_space<vmem>>, vector<16xi32>,
    %get3A_356 = arith.constant 3 : i32
    %get3A_357 = arith.index_cast %get3A_356 : i32 to index
    %get3A_358 = arith.constant 96 : index
    %get3A_359 = tpu.vector_load %arg6[%get3A_357, %get3A_358] {strides = array<i32>} : memref<4x128xi32, #tpu.memory_space<vmem>>, vector<16xi32>,
    %ge3A_360 = arith.cmpi sge, %get3A_359, %broadcast_in_dim3A_28 : vector<16xi32>
    %sub3A_361 = arith.subi %get3A_359, %broadcast_in_dim3A_30 : vector<16xi32>
    %select_n3A_362 = arith.select %ge3A_360, %sub3A_361, %get3A_359 : vector<16xi1>, vector<16xi32>
    %swap3A_363 = arith.constant 3 : i32
    %swap3A_364 = arith.index_cast %swap3A_363 : i32 to index
    %swap3A_365 = arith.constant 96 : index
    %swap3A_366 = tpu.vector_load %arg7[%swap3A_364, %swap3A_365] {strides = array<i32>} : memref<4x128xi32, #tpu.memory_space<vmem>>, vector<16xi32>,
    tpu.vector_store %arg7[%swap3A_364, %swap3A_365], %select_n3A_362 {strides = array<i32>} : memref<4x128xi32, #tpu.memory_space<vmem>>, vector<16xi32>,
    %get3A_367 = arith.constant 3 : i32
    %get3A_368 = arith.index_cast %get3A_367 : i32 to index
    %get3A_369 = arith.constant 112 : index
    %get3A_370 = tpu.vector_load %arg6[%get3A_368, %get3A_369] {strides = array<i32>} : memref<4x128xi32, #tpu.memory_space<vmem>>, vector<16xi32>,
    %ge3A_371 = arith.cmpi sge, %get3A_370, %broadcast_in_dim3A_28 : vector<16xi32>
    %sub3A_372 = arith.subi %get3A_370, %broadcast_in_dim3A_30 : vector<16xi32>
    %select_n3A_373 = arith.select %ge3A_371, %sub3A_372, %get3A_370 : vector<16xi1>, vector<16xi32>
    %swap3A_374 = arith.constant 3 : i32
    %swap3A_375 = arith.index_cast %swap3A_374 : i32 to index
    %swap3A_376 = arith.constant 112 : index
    %swap3A_377 = tpu.vector_load %arg7[%swap3A_375, %swap3A_376] {strides = array<i32>} : memref<4x128xi32, #tpu.memory_space<vmem>>, vector<16xi32>,
    tpu.vector_store %arg7[%swap3A_375, %swap3A_376], %select_n3A_373 {strides = array<i32>} : memref<4x128xi32, #tpu.memory_space<vmem>>, vector<16xi32>,
    %dma_start3A = arith.constant 0 : i32
    %dma_start3A_378 = arith.constant 0 : i32
    %dma_start3A_379 = arith.constant 0 : i32
    %dma_start3A_380 = tpu.memref_slice %arg12[%dma_start3A_378, %dma_start3A_379] : memref<512x128xf32, #tpu.memory_space<vmem>> -> memref<128x128xf32, #tpu.memory_space<vmem>>
    %dma_start3A_381 = arith.constant 0 : i32
    %dma_start3A_382 = tpu.memref_slice %arg7[%dma_start3A, %dma_start3A_381] : memref<4x128xi32, #tpu.memory_space<vmem>> -> memref<1x128xi32, #tpu.memory_space<vmem>>
    %dma_start3A_383 = tpu.memref_squeeze %dma_start3A_382 : memref<1x128xi32, #tpu.memory_space<vmem>> -> memref<128xi32, #tpu.memory_space<vmem>>
    %dma_start3A_384 = arith.constant 0 : i32
    %dma_start3A_385 = arith.constant 0 : i32
    %dma_start3A_386 = tpu.memref_slice %arg3[%dma_start3A_384, %dma_start3A_385] : memref<53248x128xf32, #tpu.memory_space<hbm>> -> memref<53248x128xf32, #tpu.memory_space<hbm>>
    tpu.enqueue_indirect_dma source(%dma_start3A_386 : memref<53248x128xf32, #tpu.memory_space<hbm>>) target(%dma_start3A_380 : memref<128x128xf32, #tpu.memory_space<vmem>>) offsets(%dma_start3A_383 : memref<128xi32, #tpu.memory_space<vmem>>) semaphore(%arg14 : memref<!tpu.dma_semaphore, #tpu.memory_space<semaphore_mem>>)
    %dma_start3A_387 = arith.constant 1 : i32
    %dma_start3A_388 = arith.constant 128 : i32
    %dma_start3A_389 = arith.constant 0 : i32
    %dma_start3A_390 = tpu.memref_slice %arg12[%dma_start3A_388, %dma_start3A_389] : memref<512x128xf32, #tpu.memory_space<vmem>> -> memref<128x128xf32, #tpu.memory_space<vmem>>
    %dma_start3A_391 = arith.constant 0 : i32
    %dma_start3A_392 = tpu.memref_slice %arg7[%dma_start3A_387, %dma_start3A_391] : memref<4x128xi32, #tpu.memory_space<vmem>> -> memref<1x128xi32, #tpu.memory_space<vmem>>
    %dma_start3A_393 = tpu.memref_squeeze %dma_start3A_392 : memref<1x128xi32, #tpu.memory_space<vmem>> -> memref<128xi32, #tpu.memory_space<vmem>>
    %dma_start3A_394 = arith.constant 0 : i32
    %dma_start3A_395 = arith.constant 0 : i32
    %dma_start3A_396 = tpu.memref_slice %arg3[%dma_start3A_394, %dma_start3A_395] : memref<53248x128xf32, #tpu.memory_space<hbm>> -> memref<53248x128xf32, #tpu.memory_space<hbm>>
    tpu.enqueue_indirect_dma source(%dma_start3A_396 : memref<53248x128xf32, #tpu.memory_space<hbm>>) target(%dma_start3A_390 : memref<128x128xf32, #tpu.memory_space<vmem>>) offsets(%dma_start3A_393 : memref<128xi32, #tpu.memory_space<vmem>>) semaphore(%arg14 : memref<!tpu.dma_semaphore, #tpu.memory_space<semaphore_mem>>)
    %dma_start3A_397 = arith.constant 2 : i32
    %dma_start3A_398 = arith.constant 256 : i32
    %dma_start3A_399 = arith.constant 0 : i32
    %dma_start3A_400 = tpu.memref_slice %arg12[%dma_start3A_398, %dma_start3A_399] : memref<512x128xf32, #tpu.memory_space<vmem>> -> memref<128x128xf32, #tpu.memory_space<vmem>>
    %dma_start3A_401 = arith.constant 0 : i32
    %dma_start3A_402 = tpu.memref_slice %arg7[%dma_start3A_397, %dma_start3A_401] : memref<4x128xi32, #tpu.memory_space<vmem>> -> memref<1x128xi32, #tpu.memory_space<vmem>>
    %dma_start3A_403 = tpu.memref_squeeze %dma_start3A_402 : memref<1x128xi32, #tpu.memory_space<vmem>> -> memref<128xi32, #tpu.memory_space<vmem>>
    %dma_start3A_404 = arith.constant 0 : i32
    %dma_start3A_405 = arith.constant 0 : i32
    %dma_start3A_406 = tpu.memref_slice %arg3[%dma_start3A_404, %dma_start3A_405] : memref<53248x128xf32, #tpu.memory_space<hbm>> -> memref<53248x128xf32, #tpu.memory_space<hbm>>
    tpu.enqueue_indirect_dma source(%dma_start3A_406 : memref<53248x128xf32, #tpu.memory_space<hbm>>) target(%dma_start3A_400 : memref<128x128xf32, #tpu.memory_space<vmem>>) offsets(%dma_start3A_403 : memref<128xi32, #tpu.memory_space<vmem>>) semaphore(%arg14 : memref<!tpu.dma_semaphore, #tpu.memory_space<semaphore_mem>>)
    %dma_start3A_407 = arith.constant 3 : i32
    %dma_start3A_408 = arith.constant 384 : i32
    %dma_start3A_409 = arith.constant 0 : i32
    %dma_start3A_410 = tpu.memref_slice %arg12[%dma_start3A_408, %dma_start3A_409] : memref<512x128xf32, #tpu.memory_space<vmem>> -> memref<128x128xf32, #tpu.memory_space<vmem>>
    %dma_start3A_411 = arith.constant 0 : i32
    %dma_start3A_412 = tpu.memref_slice %arg7[%dma_start3A_407, %dma_start3A_411] : memref<4x128xi32, #tpu.memory_space<vmem>> -> memref<1x128xi32, #tpu.memory_space<vmem>>
    %dma_start3A_413 = tpu.memref_squeeze %dma_start3A_412 : memref<1x128xi32, #tpu.memory_space<vmem>> -> memref<128xi32, #tpu.memory_space<vmem>>
    %dma_start3A_414 = arith.constant 0 : i32
    %dma_start3A_415 = arith.constant 0 : i32
    %dma_start3A_416 = tpu.memref_slice %arg3[%dma_start3A_414, %dma_start3A_415] : memref<53248x128xf32, #tpu.memory_space<hbm>> -> memref<53248x128xf32, #tpu.memory_space<hbm>>
    tpu.enqueue_indirect_dma source(%dma_start3A_416 : memref<53248x128xf32, #tpu.memory_space<hbm>>) target(%dma_start3A_410 : memref<128x128xf32, #tpu.memory_space<vmem>>) offsets(%dma_start3A_413 : memref<128xi32, #tpu.memory_space<vmem>>) semaphore(%arg14 : memref<!tpu.dma_semaphore, #tpu.memory_space<semaphore_mem>>)
    %broadcast_in_dim3A_417 = arith.constant 0.000000e+00 : f32
    %broadcast_in_dim3A_418 = vector.broadcast %broadcast_in_dim3A_417 : f32 to vector<16xf32>
    %swap3A_419 = arith.constant 0 : index
    %swap3A_420 = tpu.vector_load %arg9[%swap3A_419] {strides = array<i32>} : memref<128xf32, #tpu.memory_space<vmem>>, vector<16xf32>,
    tpu.vector_store %arg9[%swap3A_419], %broadcast_in_dim3A_418 {strides = array<i32>} : memref<128xf32, #tpu.memory_space<vmem>>, vector<16xf32>,
    %broadcast_in_dim3A_421 = arith.constant 1.000000e+00 : f32
    %broadcast_in_dim3A_422 = vector.broadcast %broadcast_in_dim3A_421 : f32 to vector<16xf32>
    %swap3A_423 = arith.constant 0 : index
    %swap3A_424 = tpu.vector_load %arg10[%swap3A_423] {strides = array<i32>} : memref<128xf32, #tpu.memory_space<vmem>>, vector<16xf32>,
    tpu.vector_store %arg10[%swap3A_423], %broadcast_in_dim3A_422 {strides = array<i32>} : memref<128xf32, #tpu.memory_space<vmem>>, vector<16xf32>,
    %broadcast_in_dim3A_425 = arith.constant 0.000000e+00 : f32
    %broadcast_in_dim3A_426 = vector.broadcast %broadcast_in_dim3A_425 : f32 to vector<16xf32>
    %swap3A_427 = arith.constant 16 : index
    %swap3A_428 = tpu.vector_load %arg9[%swap3A_427] {strides = array<i32>} : memref<128xf32, #tpu.memory_space<vmem>>, vector<16xf32>,
    tpu.vector_store %arg9[%swap3A_427], %broadcast_in_dim3A_426 {strides = array<i32>} : memref<128xf32, #tpu.memory_space<vmem>>, vector<16xf32>,
    %broadcast_in_dim3A_429 = arith.constant 1.000000e+00 : f32
    %broadcast_in_dim3A_430 = vector.broadcast %broadcast_in_dim3A_429 : f32 to vector<16xf32>
    %swap3A_431 = arith.constant 16 : index
    %swap3A_432 = tpu.vector_load %arg10[%swap3A_431] {strides = array<i32>} : memref<128xf32, #tpu.memory_space<vmem>>, vector<16xf32>,
    tpu.vector_store %arg10[%swap3A_431], %broadcast_in_dim3A_430 {strides = array<i32>} : memref<128xf32, #tpu.memory_space<vmem>>, vector<16xf32>,
    %broadcast_in_dim3A_433 = arith.constant 0.000000e+00 : f32
    %broadcast_in_dim3A_434 = vector.broadcast %broadcast_in_dim3A_433 : f32 to vector<16xf32>
    %swap3A_435 = arith.constant 32 : index
    %swap3A_436 = tpu.vector_load %arg9[%swap3A_435] {strides = array<i32>} : memref<128xf32, #tpu.memory_space<vmem>>, vector<16xf32>,
    tpu.vector_store %arg9[%swap3A_435], %broadcast_in_dim3A_434 {strides = array<i32>} : memref<128xf32, #tpu.memory_space<vmem>>, vector<16xf32>,
    %broadcast_in_dim3A_437 = arith.constant 1.000000e+00 : f32
    %broadcast_in_dim3A_438 = vector.broadcast %broadcast_in_dim3A_437 : f32 to vector<16xf32>
    %swap3A_439 = arith.constant 32 : index
    %swap3A_440 = tpu.vector_load %arg10[%swap3A_439] {strides = array<i32>} : memref<128xf32, #tpu.memory_space<vmem>>, vector<16xf32>,
    tpu.vector_store %arg10[%swap3A_439], %broadcast_in_dim3A_438 {strides = array<i32>} : memref<128xf32, #tpu.memory_space<vmem>>, vector<16xf32>,
    %broadcast_in_dim3A_441 = arith.constant 0.000000e+00 : f32
    %broadcast_in_dim3A_442 = vector.broadcast %broadcast_in_dim3A_441 : f32 to vector<16xf32>
    %swap3A_443 = arith.constant 48 : index
    %swap3A_444 = tpu.vector_load %arg9[%swap3A_443] {strides = array<i32>} : memref<128xf32, #tpu.memory_space<vmem>>, vector<16xf32>,
    tpu.vector_store %arg9[%swap3A_443], %broadcast_in_dim3A_442 {strides = array<i32>} : memref<128xf32, #tpu.memory_space<vmem>>, vector<16xf32>,
    %broadcast_in_dim3A_445 = arith.constant 1.000000e+00 : f32
    %broadcast_in_dim3A_446 = vector.broadcast %broadcast_in_dim3A_445 : f32 to vector<16xf32>
    %swap3A_447 = arith.constant 48 : index
    %swap3A_448 = tpu.vector_load %arg10[%swap3A_447] {strides = array<i32>} : memref<128xf32, #tpu.memory_space<vmem>>, vector<16xf32>,
    tpu.vector_store %arg10[%swap3A_447], %broadcast_in_dim3A_446 {strides = array<i32>} : memref<128xf32, #tpu.memory_space<vmem>>, vector<16xf32>,
    %broadcast_in_dim3A_449 = arith.constant 0.000000e+00 : f32
    %broadcast_in_dim3A_450 = vector.broadcast %broadcast_in_dim3A_449 : f32 to vector<16xf32>
    %swap3A_451 = arith.constant 64 : index
    %swap3A_452 = tpu.vector_load %arg9[%swap3A_451] {strides = array<i32>} : memref<128xf32, #tpu.memory_space<vmem>>, vector<16xf32>,
    tpu.vector_store %arg9[%swap3A_451], %broadcast_in_dim3A_450 {strides = array<i32>} : memref<128xf32, #tpu.memory_space<vmem>>, vector<16xf32>,
    %broadcast_in_dim3A_453 = arith.constant 1.000000e+00 : f32
    %broadcast_in_dim3A_454 = vector.broadcast %broadcast_in_dim3A_453 : f32 to vector<16xf32>
    %swap3A_455 = arith.constant 64 : index
    %swap3A_456 = tpu.vector_load %arg10[%swap3A_455] {strides = array<i32>} : memref<128xf32, #tpu.memory_space<vmem>>, vector<16xf32>,
    tpu.vector_store %arg10[%swap3A_455], %broadcast_in_dim3A_454 {strides = array<i32>} : memref<128xf32, #tpu.memory_space<vmem>>, vector<16xf32>,
    %broadcast_in_dim3A_457 = arith.constant 0.000000e+00 : f32
    %broadcast_in_dim3A_458 = vector.broadcast %broadcast_in_dim3A_457 : f32 to vector<16xf32>
    %swap3A_459 = arith.constant 80 : index
    %swap3A_460 = tpu.vector_load %arg9[%swap3A_459] {strides = array<i32>} : memref<128xf32, #tpu.memory_space<vmem>>, vector<16xf32>,
    tpu.vector_store %arg9[%swap3A_459], %broadcast_in_dim3A_458 {strides = array<i32>} : memref<128xf32, #tpu.memory_space<vmem>>, vector<16xf32>,
    %broadcast_in_dim3A_461 = arith.constant 1.000000e+00 : f32
    %broadcast_in_dim3A_462 = vector.broadcast %broadcast_in_dim3A_461 : f32 to vector<16xf32>
    %swap3A_463 = arith.constant 80 : index
    %swap3A_464 = tpu.vector_load %arg10[%swap3A_463] {strides = array<i32>} : memref<128xf32, #tpu.memory_space<vmem>>, vector<16xf32>,
    tpu.vector_store %arg10[%swap3A_463], %broadcast_in_dim3A_462 {strides = array<i32>} : memref<128xf32, #tpu.memory_space<vmem>>, vector<16xf32>,
    %broadcast_in_dim3A_465 = arith.constant 0.000000e+00 : f32
    %broadcast_in_dim3A_466 = vector.broadcast %broadcast_in_dim3A_465 : f32 to vector<16xf32>
    %swap3A_467 = arith.constant 96 : index
    %swap3A_468 = tpu.vector_load %arg9[%swap3A_467] {strides = array<i32>} : memref<128xf32, #tpu.memory_space<vmem>>, vector<16xf32>,
    tpu.vector_store %arg9[%swap3A_467], %broadcast_in_dim3A_466 {strides = array<i32>} : memref<128xf32, #tpu.memory_space<vmem>>, vector<16xf32>,
    %broadcast_in_dim3A_469 = arith.constant 1.000000e+00 : f32
    %broadcast_in_dim3A_470 = vector.broadcast %broadcast_in_dim3A_469 : f32 to vector<16xf32>
    %swap3A_471 = arith.constant 96 : index
    %swap3A_472 = tpu.vector_load %arg10[%swap3A_471] {strides = array<i32>} : memref<128xf32, #tpu.memory_space<vmem>>, vector<16xf32>,
    tpu.vector_store %arg10[%swap3A_471], %broadcast_in_dim3A_470 {strides = array<i32>} : memref<128xf32, #tpu.memory_space<vmem>>, vector<16xf32>,
    %broadcast_in_dim3A_473 = arith.constant 0.000000e+00 : f32
    %broadcast_in_dim3A_474 = vector.broadcast %broadcast_in_dim3A_473 : f32 to vector<16xf32>
    %swap3A_475 = arith.constant 112 : index
    %swap3A_476 = tpu.vector_load %arg9[%swap3A_475] {strides = array<i32>} : memref<128xf32, #tpu.memory_space<vmem>>, vector<16xf32>,
    tpu.vector_store %arg9[%swap3A_475], %broadcast_in_dim3A_474 {strides = array<i32>} : memref<128xf32, #tpu.memory_space<vmem>>, vector<16xf32>,
    %broadcast_in_dim3A_477 = arith.constant 1.000000e+00 : f32
    %broadcast_in_dim3A_478 = vector.broadcast %broadcast_in_dim3A_477 : f32 to vector<16xf32>
    %swap3A_479 = arith.constant 112 : index
    %swap3A_480 = tpu.vector_load %arg10[%swap3A_479] {strides = array<i32>} : memref<128xf32, #tpu.memory_space<vmem>>, vector<16xf32>,
    tpu.vector_store %arg10[%swap3A_479], %broadcast_in_dim3A_478 {strides = array<i32>} : memref<128xf32, #tpu.memory_space<vmem>>, vector<16xf32>,
    %mul3A_481 = arith.constant 8 : i32
    %mul3A_482 = arith.muli %arg1, %mul3A_481 : i32
    %add3A_483 = arith.constant 0 : i32
    %add3A_484 = arith.addi %mul3A_482, %add3A_483 : i32
    %mul3A_485 = arith.constant 128 : i32
    %mul3A_486 = arith.muli %add3A_484, %mul3A_485 : i32
    %run_scoped3A_487 = arith.constant 0 : i32
    "tpu.region"() ({
      %run_scoped3A_601 = tpu.sem_alloc : memref<!tpu.dma_semaphore, #tpu.memory_space<semaphore_mem>>
      %dma_start3A_602 = arith.constant 0 : i32
      %dma_start3A_603 = tpu.memref_slice %arg8[%run_scoped3A_487, %dma_start3A_602] : memref<8x128xi32, #tpu.memory_space<vmem>> -> memref<1x128xi32, #tpu.memory_space<vmem>>
      %dma_start3A_604 = tpu.memref_squeeze %dma_start3A_603 : memref<1x128xi32, #tpu.memory_space<vmem>> -> memref<128xi32, #tpu.memory_space<vmem>>
      %dma_start3A_605 = tpu.memref_slice %arg2[%mul3A_486] : memref<16384xi32, #tpu.memory_space<hbm>> -> memref<128xi32, #tpu.memory_space<hbm>>
      %dma_start3A_606 = arith.constant 0 : i32
      %dma_start3A_607 = tpu.memref_slice %arg8[%run_scoped3A_487, %dma_start3A_606] : memref<8x128xi32, #tpu.memory_space<vmem>> -> memref<1x128xi32, #tpu.memory_space<vmem>>
      %dma_start3A_608 = tpu.memref_squeeze %dma_start3A_607 : memref<1x128xi32, #tpu.memory_space<vmem>> -> memref<128xi32, #tpu.memory_space<vmem>>
      %dma_start3A_609 = tpu.memref_slice %arg2[%mul3A_486] : memref<16384xi32, #tpu.memory_space<hbm>> -> memref<128xi32, #tpu.memory_space<hbm>>
      tpu.enqueue_dma source(%dma_start3A_609 : memref<128xi32, #tpu.memory_space<hbm>>) target(%dma_start3A_608 : memref<128xi32, #tpu.memory_space<vmem>>) target_semaphore(%run_scoped3A_601 : memref<!tpu.dma_semaphore, #tpu.memory_space<semaphore_mem>>)
      %dma_wait3A_610 = arith.constant 0 : i32
      %dma_wait3A_611 = tpu.memref_slice %arg8[%run_scoped3A_487, %dma_wait3A_610] : memref<8x128xi32, #tpu.memory_space<vmem>> -> memref<1x128xi32, #tpu.memory_space<vmem>>
      %dma_wait3A_612 = tpu.memref_squeeze %dma_wait3A_611 : memref<1x128xi32, #tpu.memory_space<vmem>> -> memref<128xi32, #tpu.memory_space<vmem>>
      %dma_wait3A_613 = tpu.memref_slice %arg2[%mul3A_486] : memref<16384xi32, #tpu.memory_space<hbm>> -> memref<128xi32, #tpu.memory_space<hbm>>
      %dma_wait3A_614 = arith.constant 0 : i32
      %dma_wait3A_615 = tpu.memref_slice %arg8[%run_scoped3A_487, %dma_wait3A_614] : memref<8x128xi32, #tpu.memory_space<vmem>> -> memref<1x128xi32, #tpu.memory_space<vmem>>
      %dma_wait3A_616 = tpu.memref_squeeze %dma_wait3A_615 : memref<1x128xi32, #tpu.memory_space<vmem>> -> memref<128xi32, #tpu.memory_space<vmem>>
      %dma_wait3A_617 = tpu.memref_slice %arg2[%mul3A_486] : memref<16384xi32, #tpu.memory_space<hbm>> -> memref<128xi32, #tpu.memory_space<hbm>>
      tpu.wait_dma2 semaphore(%run_scoped3A_601 : memref<!tpu.dma_semaphore, #tpu.memory_space<semaphore_mem>>) src(%dma_wait3A_617 : memref<128xi32, #tpu.memory_space<hbm>>) dst(%dma_wait3A_616 : memref<128xi32, #tpu.memory_space<vmem>>)
      tpu.yield
    }) : () -> ()
    %mul3A_488 = arith.constant 8 : i32
    %mul3A_489 = arith.muli %arg1, %mul3A_488 : i32
    %add3A_490 = arith.constant 1 : i32
    %add3A_491 = arith.addi %mul3A_489, %add3A_490 : i32
    %mul3A_492 = arith.constant 128 : i32
    %mul3A_493 = arith.muli %add3A_491, %mul3A_492 : i32
    %run_scoped3A_494 = arith.constant 1 : i32
    "tpu.region"() ({
      %run_scoped3A_601 = tpu.sem_alloc : memref<!tpu.dma_semaphore, #tpu.memory_space<semaphore_mem>>
      %dma_start3A_602 = arith.constant 0 : i32
      %dma_start3A_603 = tpu.memref_slice %arg8[%run_scoped3A_494, %dma_start3A_602] : memref<8x128xi32, #tpu.memory_space<vmem>> -> memref<1x128xi32, #tpu.memory_space<vmem>>
      %dma_start3A_604 = tpu.memref_squeeze %dma_start3A_603 : memref<1x128xi32, #tpu.memory_space<vmem>> -> memref<128xi32, #tpu.memory_space<vmem>>
      %dma_start3A_605 = tpu.memref_slice %arg2[%mul3A_493] : memref<16384xi32, #tpu.memory_space<hbm>> -> memref<128xi32, #tpu.memory_space<hbm>>
      %dma_start3A_606 = arith.constant 0 : i32
      %dma_start3A_607 = tpu.memref_slice %arg8[%run_scoped3A_494, %dma_start3A_606] : memref<8x128xi32, #tpu.memory_space<vmem>> -> memref<1x128xi32, #tpu.memory_space<vmem>>
      %dma_start3A_608 = tpu.memref_squeeze %dma_start3A_607 : memref<1x128xi32, #tpu.memory_space<vmem>> -> memref<128xi32, #tpu.memory_space<vmem>>
      %dma_start3A_609 = tpu.memref_slice %arg2[%mul3A_493] : memref<16384xi32, #tpu.memory_space<hbm>> -> memref<128xi32, #tpu.memory_space<hbm>>
      tpu.enqueue_dma source(%dma_start3A_609 : memref<128xi32, #tpu.memory_space<hbm>>) target(%dma_start3A_608 : memref<128xi32, #tpu.memory_space<vmem>>) target_semaphore(%run_scoped3A_601 : memref<!tpu.dma_semaphore, #tpu.memory_space<semaphore_mem>>)
      %dma_wait3A_610 = arith.constant 0 : i32
      %dma_wait3A_611 = tpu.memref_slice %arg8[%run_scoped3A_494, %dma_wait3A_610] : memref<8x128xi32, #tpu.memory_space<vmem>> -> memref<1x128xi32, #tpu.memory_space<vmem>>
      %dma_wait3A_612 = tpu.memref_squeeze %dma_wait3A_611 : memref<1x128xi32, #tpu.memory_space<vmem>> -> memref<128xi32, #tpu.memory_space<vmem>>
      %dma_wait3A_613 = tpu.memref_slice %arg2[%mul3A_493] : memref<16384xi32, #tpu.memory_space<hbm>> -> memref<128xi32, #tpu.memory_space<hbm>>
      %dma_wait3A_614 = arith.constant 0 : i32
      %dma_wait3A_615 = tpu.memref_slice %arg8[%run_scoped3A_494, %dma_wait3A_614] : memref<8x128xi32, #tpu.memory_space<vmem>> -> memref<1x128xi32, #tpu.memory_space<vmem>>
      %dma_wait3A_616 = tpu.memref_squeeze %dma_wait3A_615 : memref<1x128xi32, #tpu.memory_space<vmem>> -> memref<128xi32, #tpu.memory_space<vmem>>
      %dma_wait3A_617 = tpu.memref_slice %arg2[%mul3A_493] : memref<16384xi32, #tpu.memory_space<hbm>> -> memref<128xi32, #tpu.memory_space<hbm>>
      tpu.wait_dma2 semaphore(%run_scoped3A_601 : memref<!tpu.dma_semaphore, #tpu.memory_space<semaphore_mem>>) src(%dma_wait3A_617 : memref<128xi32, #tpu.memory_space<hbm>>) dst(%dma_wait3A_616 : memref<128xi32, #tpu.memory_space<vmem>>)
      tpu.yield
    }) : () -> ()
    %mul3A_495 = arith.constant 8 : i32
    %mul3A_496 = arith.muli %arg1, %mul3A_495 : i32
    %add3A_497 = arith.constant 2 : i32
    %add3A_498 = arith.addi %mul3A_496, %add3A_497 : i32
    %mul3A_499 = arith.constant 128 : i32
    %mul3A_500 = arith.muli %add3A_498, %mul3A_499 : i32
    %run_scoped3A_501 = arith.constant 2 : i32
    "tpu.region"() ({
      %run_scoped3A_601 = tpu.sem_alloc : memref<!tpu.dma_semaphore, #tpu.memory_space<semaphore_mem>>
      %dma_start3A_602 = arith.constant 0 : i32
      %dma_start3A_603 = tpu.memref_slice %arg8[%run_scoped3A_501, %dma_start3A_602] : memref<8x128xi32, #tpu.memory_space<vmem>> -> memref<1x128xi32, #tpu.memory_space<vmem>>
      %dma_start3A_604 = tpu.memref_squeeze %dma_start3A_603 : memref<1x128xi32, #tpu.memory_space<vmem>> -> memref<128xi32, #tpu.memory_space<vmem>>
      %dma_start3A_605 = tpu.memref_slice %arg2[%mul3A_500] : memref<16384xi32, #tpu.memory_space<hbm>> -> memref<128xi32, #tpu.memory_space<hbm>>
      %dma_start3A_606 = arith.constant 0 : i32
      %dma_start3A_607 = tpu.memref_slice %arg8[%run_scoped3A_501, %dma_start3A_606] : memref<8x128xi32, #tpu.memory_space<vmem>> -> memref<1x128xi32, #tpu.memory_space<vmem>>
      %dma_start3A_608 = tpu.memref_squeeze %dma_start3A_607 : memref<1x128xi32, #tpu.memory_space<vmem>> -> memref<128xi32, #tpu.memory_space<vmem>>
      %dma_start3A_609 = tpu.memref_slice %arg2[%mul3A_500] : memref<16384xi32, #tpu.memory_space<hbm>> -> memref<128xi32, #tpu.memory_space<hbm>>
      tpu.enqueue_dma source(%dma_start3A_609 : memref<128xi32, #tpu.memory_space<hbm>>) target(%dma_start3A_608 : memref<128xi32, #tpu.memory_space<vmem>>) target_semaphore(%run_scoped3A_601 : memref<!tpu.dma_semaphore, #tpu.memory_space<semaphore_mem>>)
      %dma_wait3A_610 = arith.constant 0 : i32
      %dma_wait3A_611 = tpu.memref_slice %arg8[%run_scoped3A_501, %dma_wait3A_610] : memref<8x128xi32, #tpu.memory_space<vmem>> -> memref<1x128xi32, #tpu.memory_space<vmem>>
      %dma_wait3A_612 = tpu.memref_squeeze %dma_wait3A_611 : memref<1x128xi32, #tpu.memory_space<vmem>> -> memref<128xi32, #tpu.memory_space<vmem>>
      %dma_wait3A_613 = tpu.memref_slice %arg2[%mul3A_500] : memref<16384xi32, #tpu.memory_space<hbm>> -> memref<128xi32, #tpu.memory_space<hbm>>
      %dma_wait3A_614 = arith.constant 0 : i32
      %dma_wait3A_615 = tpu.memref_slice %arg8[%run_scoped3A_501, %dma_wait3A_614] : memref<8x128xi32, #tpu.memory_space<vmem>> -> memref<1x128xi32, #tpu.memory_space<vmem>>
      %dma_wait3A_616 = tpu.memref_squeeze %dma_wait3A_615 : memref<1x128xi32, #tpu.memory_space<vmem>> -> memref<128xi32, #tpu.memory_space<vmem>>
      %dma_wait3A_617 = tpu.memref_slice %arg2[%mul3A_500] : memref<16384xi32, #tpu.memory_space<hbm>> -> memref<128xi32, #tpu.memory_space<hbm>>
      tpu.wait_dma2 semaphore(%run_scoped3A_601 : memref<!tpu.dma_semaphore, #tpu.memory_space<semaphore_mem>>) src(%dma_wait3A_617 : memref<128xi32, #tpu.memory_space<hbm>>) dst(%dma_wait3A_616 : memref<128xi32, #tpu.memory_space<vmem>>)
      tpu.yield
    }) : () -> ()
    %mul3A_502 = arith.constant 8 : i32
    %mul3A_503 = arith.muli %arg1, %mul3A_502 : i32
    %add3A_504 = arith.constant 3 : i32
    %add3A_505 = arith.addi %mul3A_503, %add3A_504 : i32
    %mul3A_506 = arith.constant 128 : i32
    %mul3A_507 = arith.muli %add3A_505, %mul3A_506 : i32
    %run_scoped3A_508 = arith.constant 3 : i32
    "tpu.region"() ({
      %run_scoped3A_601 = tpu.sem_alloc : memref<!tpu.dma_semaphore, #tpu.memory_space<semaphore_mem>>
      %dma_start3A_602 = arith.constant 0 : i32
      %dma_start3A_603 = tpu.memref_slice %arg8[%run_scoped3A_508, %dma_start3A_602] : memref<8x128xi32, #tpu.memory_space<vmem>> -> memref<1x128xi32, #tpu.memory_space<vmem>>
      %dma_start3A_604 = tpu.memref_squeeze %dma_start3A_603 : memref<1x128xi32, #tpu.memory_space<vmem>> -> memref<128xi32, #tpu.memory_space<vmem>>
      %dma_start3A_605 = tpu.memref_slice %arg2[%mul3A_507] : memref<16384xi32, #tpu.memory_space<hbm>> -> memref<128xi32, #tpu.memory_space<hbm>>
      %dma_start3A_606 = arith.constant 0 : i32
      %dma_start3A_607 = tpu.memref_slice %arg8[%run_scoped3A_508, %dma_start3A_606] : memref<8x128xi32, #tpu.memory_space<vmem>> -> memref<1x128xi32, #tpu.memory_space<vmem>>
      %dma_start3A_608 = tpu.memref_squeeze %dma_start3A_607 : memref<1x128xi32, #tpu.memory_space<vmem>> -> memref<128xi32, #tpu.memory_space<vmem>>
      %dma_start3A_609 = tpu.memref_slice %arg2[%mul3A_507] : memref<16384xi32, #tpu.memory_space<hbm>> -> memref<128xi32, #tpu.memory_space<hbm>>
      tpu.enqueue_dma source(%dma_start3A_609 : memref<128xi32, #tpu.memory_space<hbm>>) target(%dma_start3A_608 : memref<128xi32, #tpu.memory_space<vmem>>) target_semaphore(%run_scoped3A_601 : memref<!tpu.dma_semaphore, #tpu.memory_space<semaphore_mem>>)
      %dma_wait3A_610 = arith.constant 0 : i32
      %dma_wait3A_611 = tpu.memref_slice %arg8[%run_scoped3A_508, %dma_wait3A_610] : memref<8x128xi32, #tpu.memory_space<vmem>> -> memref<1x128xi32, #tpu.memory_space<vmem>>
      %dma_wait3A_612 = tpu.memref_squeeze %dma_wait3A_611 : memref<1x128xi32, #tpu.memory_space<vmem>> -> memref<128xi32, #tpu.memory_space<vmem>>
      %dma_wait3A_613 = tpu.memref_slice %arg2[%mul3A_507] : memref<16384xi32, #tpu.memory_space<hbm>> -> memref<128xi32, #tpu.memory_space<hbm>>
      %dma_wait3A_614 = arith.constant 0 : i32
      %dma_wait3A_615 = tpu.memref_slice %arg8[%run_scoped3A_508, %dma_wait3A_614] : memref<8x128xi32, #tpu.memory_space<vmem>> -> memref<1x128xi32, #tpu.memory_space<vmem>>
      %dma_wait3A_616 = tpu.memref_squeeze %dma_wait3A_615 : memref<1x128xi32, #tpu.memory_space<vmem>> -> memref<128xi32, #tpu.memory_space<vmem>>
      %dma_wait3A_617 = tpu.memref_slice %arg2[%mul3A_507] : memref<16384xi32, #tpu.memory_space<hbm>> -> memref<128xi32, #tpu.memory_space<hbm>>
      tpu.wait_dma2 semaphore(%run_scoped3A_601 : memref<!tpu.dma_semaphore, #tpu.memory_space<semaphore_mem>>) src(%dma_wait3A_617 : memref<128xi32, #tpu.memory_space<hbm>>) dst(%dma_wait3A_616 : memref<128xi32, #tpu.memory_space<vmem>>)
      tpu.yield
    }) : () -> ()
    %mul3A_509 = arith.constant 8 : i32
    %mul3A_510 = arith.muli %arg1, %mul3A_509 : i32
    %add3A_511 = arith.constant 4 : i32
    %add3A_512 = arith.addi %mul3A_510, %add3A_511 : i32
    %mul3A_513 = arith.constant 128 : i32
    %mul3A_514 = arith.muli %add3A_512, %mul3A_513 : i32
    %run_scoped3A_515 = arith.constant 4 : i32
    "tpu.region"() ({
      %run_scoped3A_601 = tpu.sem_alloc : memref<!tpu.dma_semaphore, #tpu.memory_space<semaphore_mem>>
      %dma_start3A_602 = arith.constant 0 : i32
      %dma_start3A_603 = tpu.memref_slice %arg8[%run_scoped3A_515, %dma_start3A_602] : memref<8x128xi32, #tpu.memory_space<vmem>> -> memref<1x128xi32, #tpu.memory_space<vmem>>
      %dma_start3A_604 = tpu.memref_squeeze %dma_start3A_603 : memref<1x128xi32, #tpu.memory_space<vmem>> -> memref<128xi32, #tpu.memory_space<vmem>>
      %dma_start3A_605 = tpu.memref_slice %arg2[%mul3A_514] : memref<16384xi32, #tpu.memory_space<hbm>> -> memref<128xi32, #tpu.memory_space<hbm>>
      %dma_start3A_606 = arith.constant 0 : i32
      %dma_start3A_607 = tpu.memref_slice %arg8[%run_scoped3A_515, %dma_start3A_606] : memref<8x128xi32, #tpu.memory_space<vmem>> -> memref<1x128xi32, #tpu.memory_space<vmem>>
      %dma_start3A_608 = tpu.memref_squeeze %dma_start3A_607 : memref<1x128xi32, #tpu.memory_space<vmem>> -> memref<128xi32, #tpu.memory_space<vmem>>
      %dma_start3A_609 = tpu.memref_slice %arg2[%mul3A_514] : memref<16384xi32, #tpu.memory_space<hbm>> -> memref<128xi32, #tpu.memory_space<hbm>>
      tpu.enqueue_dma source(%dma_start3A_609 : memref<128xi32, #tpu.memory_space<hbm>>) target(%dma_start3A_608 : memref<128xi32, #tpu.memory_space<vmem>>) target_semaphore(%run_scoped3A_601 : memref<!tpu.dma_semaphore, #tpu.memory_space<semaphore_mem>>)
      %dma_wait3A_610 = arith.constant 0 : i32
      %dma_wait3A_611 = tpu.memref_slice %arg8[%run_scoped3A_515, %dma_wait3A_610] : memref<8x128xi32, #tpu.memory_space<vmem>> -> memref<1x128xi32, #tpu.memory_space<vmem>>
      %dma_wait3A_612 = tpu.memref_squeeze %dma_wait3A_611 : memref<1x128xi32, #tpu.memory_space<vmem>> -> memref<128xi32, #tpu.memory_space<vmem>>
      %dma_wait3A_613 = tpu.memref_slice %arg2[%mul3A_514] : memref<16384xi32, #tpu.memory_space<hbm>> -> memref<128xi32, #tpu.memory_space<hbm>>
      %dma_wait3A_614 = arith.constant 0 : i32
      %dma_wait3A_615 = tpu.memref_slice %arg8[%run_scoped3A_515, %dma_wait3A_614] : memref<8x128xi32, #tpu.memory_space<vmem>> -> memref<1x128xi32, #tpu.memory_space<vmem>>
      %dma_wait3A_616 = tpu.memref_squeeze %dma_wait3A_615 : memref<1x128xi32, #tpu.memory_space<vmem>> -> memref<128xi32, #tpu.memory_space<vmem>>
      %dma_wait3A_617 = tpu.memref_slice %arg2[%mul3A_514] : memref<16384xi32, #tpu.memory_space<hbm>> -> memref<128xi32, #tpu.memory_space<hbm>>
      tpu.wait_dma2 semaphore(%run_scoped3A_601 : memref<!tpu.dma_semaphore, #tpu.memory_space<semaphore_mem>>) src(%dma_wait3A_617 : memref<128xi32, #tpu.memory_space<hbm>>) dst(%dma_wait3A_616 : memref<128xi32, #tpu.memory_space<vmem>>)
      tpu.yield
    }) : () -> ()
    %mul3A_516 = arith.constant 8 : i32
    %mul3A_517 = arith.muli %arg1, %mul3A_516 : i32
    %add3A_518 = arith.constant 5 : i32
    %add3A_519 = arith.addi %mul3A_517, %add3A_518 : i32
    %mul3A_520 = arith.constant 128 : i32
    %mul3A_521 = arith.muli %add3A_519, %mul3A_520 : i32
    %run_scoped3A_522 = arith.constant 5 : i32
    "tpu.region"() ({
      %run_scoped3A_601 = tpu.sem_alloc : memref<!tpu.dma_semaphore, #tpu.memory_space<semaphore_mem>>
      %dma_start3A_602 = arith.constant 0 : i32
      %dma_start3A_603 = tpu.memref_slice %arg8[%run_scoped3A_522, %dma_start3A_602] : memref<8x128xi32, #tpu.memory_space<vmem>> -> memref<1x128xi32, #tpu.memory_space<vmem>>
      %dma_start3A_604 = tpu.memref_squeeze %dma_start3A_603 : memref<1x128xi32, #tpu.memory_space<vmem>> -> memref<128xi32, #tpu.memory_space<vmem>>
      %dma_start3A_605 = tpu.memref_slice %arg2[%mul3A_521] : memref<16384xi32, #tpu.memory_space<hbm>> -> memref<128xi32, #tpu.memory_space<hbm>>
      %dma_start3A_606 = arith.constant 0 : i32
      %dma_start3A_607 = tpu.memref_slice %arg8[%run_scoped3A_522, %dma_start3A_606] : memref<8x128xi32, #tpu.memory_space<vmem>> -> memref<1x128xi32, #tpu.memory_space<vmem>>
      %dma_start3A_608 = tpu.memref_squeeze %dma_start3A_607 : memref<1x128xi32, #tpu.memory_space<vmem>> -> memref<128xi32, #tpu.memory_space<vmem>>
      %dma_start3A_609 = tpu.memref_slice %arg2[%mul3A_521] : memref<16384xi32, #tpu.memory_space<hbm>> -> memref<128xi32, #tpu.memory_space<hbm>>
      tpu.enqueue_dma source(%dma_start3A_609 : memref<128xi32, #tpu.memory_space<hbm>>) target(%dma_start3A_608 : memref<128xi32, #tpu.memory_space<vmem>>) target_semaphore(%run_scoped3A_601 : memref<!tpu.dma_semaphore, #tpu.memory_space<semaphore_mem>>)
      %dma_wait3A_610 = arith.constant 0 : i32
      %dma_wait3A_611 = tpu.memref_slice %arg8[%run_scoped3A_522, %dma_wait3A_610] : memref<8x128xi32, #tpu.memory_space<vmem>> -> memref<1x128xi32, #tpu.memory_space<vmem>>
      %dma_wait3A_612 = tpu.memref_squeeze %dma_wait3A_611 : memref<1x128xi32, #tpu.memory_space<vmem>> -> memref<128xi32, #tpu.memory_space<vmem>>
      %dma_wait3A_613 = tpu.memref_slice %arg2[%mul3A_521] : memref<16384xi32, #tpu.memory_space<hbm>> -> memref<128xi32, #tpu.memory_space<hbm>>
      %dma_wait3A_614 = arith.constant 0 : i32
      %dma_wait3A_615 = tpu.memref_slice %arg8[%run_scoped3A_522, %dma_wait3A_614] : memref<8x128xi32, #tpu.memory_space<vmem>> -> memref<1x128xi32, #tpu.memory_space<vmem>>
      %dma_wait3A_616 = tpu.memref_squeeze %dma_wait3A_615 : memref<1x128xi32, #tpu.memory_space<vmem>> -> memref<128xi32, #tpu.memory_space<vmem>>
      %dma_wait3A_617 = tpu.memref_slice %arg2[%mul3A_521] : memref<16384xi32, #tpu.memory_space<hbm>> -> memref<128xi32, #tpu.memory_space<hbm>>
      tpu.wait_dma2 semaphore(%run_scoped3A_601 : memref<!tpu.dma_semaphore, #tpu.memory_space<semaphore_mem>>) src(%dma_wait3A_617 : memref<128xi32, #tpu.memory_space<hbm>>) dst(%dma_wait3A_616 : memref<128xi32, #tpu.memory_space<vmem>>)
      tpu.yield
    }) : () -> ()
    %mul3A_523 = arith.constant 8 : i32
    %mul3A_524 = arith.muli %arg1, %mul3A_523 : i32
    %add3A_525 = arith.constant 6 : i32
    %add3A_526 = arith.addi %mul3A_524, %add3A_525 : i32
    %mul3A_527 = arith.constant 128 : i32
    %mul3A_528 = arith.muli %add3A_526, %mul3A_527 : i32
    %run_scoped3A_529 = arith.constant 6 : i32
    "tpu.region"() ({
      %run_scoped3A_601 = tpu.sem_alloc : memref<!tpu.dma_semaphore, #tpu.memory_space<semaphore_mem>>
      %dma_start3A_602 = arith.constant 0 : i32
      %dma_start3A_603 = tpu.memref_slice %arg8[%run_scoped3A_529, %dma_start3A_602] : memref<8x128xi32, #tpu.memory_space<vmem>> -> memref<1x128xi32, #tpu.memory_space<vmem>>
      %dma_start3A_604 = tpu.memref_squeeze %dma_start3A_603 : memref<1x128xi32, #tpu.memory_space<vmem>> -> memref<128xi32, #tpu.memory_space<vmem>>
      %dma_start3A_605 = tpu.memref_slice %arg2[%mul3A_528] : memref<16384xi32, #tpu.memory_space<hbm>> -> memref<128xi32, #tpu.memory_space<hbm>>
      %dma_start3A_606 = arith.constant 0 : i32
      %dma_start3A_607 = tpu.memref_slice %arg8[%run_scoped3A_529, %dma_start3A_606] : memref<8x128xi32, #tpu.memory_space<vmem>> -> memref<1x128xi32, #tpu.memory_space<vmem>>
      %dma_start3A_608 = tpu.memref_squeeze %dma_start3A_607 : memref<1x128xi32, #tpu.memory_space<vmem>> -> memref<128xi32, #tpu.memory_space<vmem>>
      %dma_start3A_609 = tpu.memref_slice %arg2[%mul3A_528] : memref<16384xi32, #tpu.memory_space<hbm>> -> memref<128xi32, #tpu.memory_space<hbm>>
      tpu.enqueue_dma source(%dma_start3A_609 : memref<128xi32, #tpu.memory_space<hbm>>) target(%dma_start3A_608 : memref<128xi32, #tpu.memory_space<vmem>>) target_semaphore(%run_scoped3A_601 : memref<!tpu.dma_semaphore, #tpu.memory_space<semaphore_mem>>)
      %dma_wait3A_610 = arith.constant 0 : i32
      %dma_wait3A_611 = tpu.memref_slice %arg8[%run_scoped3A_529, %dma_wait3A_610] : memref<8x128xi32, #tpu.memory_space<vmem>> -> memref<1x128xi32, #tpu.memory_space<vmem>>
      %dma_wait3A_612 = tpu.memref_squeeze %dma_wait3A_611 : memref<1x128xi32, #tpu.memory_space<vmem>> -> memref<128xi32, #tpu.memory_space<vmem>>
      %dma_wait3A_613 = tpu.memref_slice %arg2[%mul3A_528] : memref<16384xi32, #tpu.memory_space<hbm>> -> memref<128xi32, #tpu.memory_space<hbm>>
      %dma_wait3A_614 = arith.constant 0 : i32
      %dma_wait3A_615 = tpu.memref_slice %arg8[%run_scoped3A_529, %dma_wait3A_614] : memref<8x128xi32, #tpu.memory_space<vmem>> -> memref<1x128xi32, #tpu.memory_space<vmem>>
      %dma_wait3A_616 = tpu.memref_squeeze %dma_wait3A_615 : memref<1x128xi32, #tpu.memory_space<vmem>> -> memref<128xi32, #tpu.memory_space<vmem>>
      %dma_wait3A_617 = tpu.memref_slice %arg2[%mul3A_528] : memref<16384xi32, #tpu.memory_space<hbm>> -> memref<128xi32, #tpu.memory_space<hbm>>
      tpu.wait_dma2 semaphore(%run_scoped3A_601 : memref<!tpu.dma_semaphore, #tpu.memory_space<semaphore_mem>>) src(%dma_wait3A_617 : memref<128xi32, #tpu.memory_space<hbm>>) dst(%dma_wait3A_616 : memref<128xi32, #tpu.memory_space<vmem>>)
      tpu.yield
    }) : () -> ()
    %mul3A_530 = arith.constant 8 : i32
    %mul3A_531 = arith.muli %arg1, %mul3A_530 : i32
    %add3A_532 = arith.constant 7 : i32
    %add3A_533 = arith.addi %mul3A_531, %add3A_532 : i32
    %mul3A_534 = arith.constant 128 : i32
    %mul3A_535 = arith.muli %add3A_533, %mul3A_534 : i32
    %run_scoped3A_536 = arith.constant 7 : i32
    "tpu.region"() ({
      %run_scoped3A_601 = tpu.sem_alloc : memref<!tpu.dma_semaphore, #tpu.memory_space<semaphore_mem>>
      %dma_start3A_602 = arith.constant 0 : i32
      %dma_start3A_603 = tpu.memref_slice %arg8[%run_scoped3A_536, %dma_start3A_602] : memref<8x128xi32, #tpu.memory_space<vmem>> -> memref<1x128xi32, #tpu.memory_space<vmem>>
      %dma_start3A_604 = tpu.memref_squeeze %dma_start3A_603 : memref<1x128xi32, #tpu.memory_space<vmem>> -> memref<128xi32, #tpu.memory_space<vmem>>
      %dma_start3A_605 = tpu.memref_slice %arg2[%mul3A_535] : memref<16384xi32, #tpu.memory_space<hbm>> -> memref<128xi32, #tpu.memory_space<hbm>>
      %dma_start3A_606 = arith.constant 0 : i32
      %dma_start3A_607 = tpu.memref_slice %arg8[%run_scoped3A_536, %dma_start3A_606] : memref<8x128xi32, #tpu.memory_space<vmem>> -> memref<1x128xi32, #tpu.memory_space<vmem>>
      %dma_start3A_608 = tpu.memref_squeeze %dma_start3A_607 : memref<1x128xi32, #tpu.memory_space<vmem>> -> memref<128xi32, #tpu.memory_space<vmem>>
      %dma_start3A_609 = tpu.memref_slice %arg2[%mul3A_535] : memref<16384xi32, #tpu.memory_space<hbm>> -> memref<128xi32, #tpu.memory_space<hbm>>
      tpu.enqueue_dma source(%dma_start3A_609 : memref<128xi32, #tpu.memory_space<hbm>>) target(%dma_start3A_608 : memref<128xi32, #tpu.memory_space<vmem>>) target_semaphore(%run_scoped3A_601 : memref<!tpu.dma_semaphore, #tpu.memory_space<semaphore_mem>>)
      %dma_wait3A_610 = arith.constant 0 : i32
      %dma_wait3A_611 = tpu.memref_slice %arg8[%run_scoped3A_536, %dma_wait3A_610] : memref<8x128xi32, #tpu.memory_space<vmem>> -> memref<1x128xi32, #tpu.memory_space<vmem>>
      %dma_wait3A_612 = tpu.memref_squeeze %dma_wait3A_611 : memref<1x128xi32, #tpu.memory_space<vmem>> -> memref<128xi32, #tpu.memory_space<vmem>>
      %dma_wait3A_613 = tpu.memref_slice %arg2[%mul3A_535] : memref<16384xi32, #tpu.memory_space<hbm>> -> memref<128xi32, #tpu.memory_space<hbm>>
      %dma_wait3A_614 = arith.constant 0 : i32
      %dma_wait3A_615 = tpu.memref_slice %arg8[%run_scoped3A_536, %dma_wait3A_614] : memref<8x128xi32, #tpu.memory_space<vmem>> -> memref<1x128xi32, #tpu.memory_space<vmem>>
      %dma_wait3A_616 = tpu.memref_squeeze %dma_wait3A_615 : memref<1x128xi32, #tpu.memory_space<vmem>> -> memref<128xi32, #tpu.memory_space<vmem>>
      %dma_wait3A_617 = tpu.memref_slice %arg2[%mul3A_535] : memref<16384xi32, #tpu.memory_space<hbm>> -> memref<128xi32, #tpu.memory_space<hbm>>
      tpu.wait_dma2 semaphore(%run_scoped3A_601 : memref<!tpu.dma_semaphore, #tpu.memory_space<semaphore_mem>>) src(%dma_wait3A_617 : memref<128xi32, #tpu.memory_space<hbm>>) dst(%dma_wait3A_616 : memref<128xi32, #tpu.memory_space<vmem>>)
      tpu.yield
    }) : () -> ()
    %run_scoped3A_537 = arith.constant 0 : i32
    "tpu.region"() ({
      %run_scoped3A_601 = tpu.sem_alloc : memref<!tpu.dma_semaphore, #tpu.memory_space<semaphore_mem>>
      %dma_start3A_602 = arith.constant 0 : i32
      %dma_start3A_603 = tpu.memref_slice %arg8[%run_scoped3A_537, %dma_start3A_602] : memref<8x128xi32, #tpu.memory_space<vmem>> -> memref<1x128xi32, #tpu.memory_space<vmem>>
      %dma_start3A_604 = tpu.memref_squeeze %dma_start3A_603 : memref<1x128xi32, #tpu.memory_space<vmem>> -> memref<128xi32, #tpu.memory_space<vmem>>
      %dma_start3A_605 = arith.constant 0 : i32
      %dma_start3A_606 = tpu.memref_slice %arg13[%dma_start3A_605] : memref<100096xf32, #tpu.memory_space<vmem_shared>> -> memref<100096xf32, #tpu.memory_space<vmem_shared>>
      tpu.enqueue_indirect_dma source(%arg9 : memref<128xf32, #tpu.memory_space<vmem>>) target(%dma_start3A_606 : memref<100096xf32, #tpu.memory_space<vmem_shared>>) offsets(%dma_start3A_604 : memref<128xi32, #tpu.memory_space<vmem>>) semaphore(%run_scoped3A_601 : memref<!tpu.dma_semaphore, #tpu.memory_space<semaphore_mem>>)
      %dma_wait3A_607 = arith.constant 0 : i32
      %dma_wait3A_608 = tpu.memref_slice %arg8[%run_scoped3A_537, %dma_wait3A_607] : memref<8x128xi32, #tpu.memory_space<vmem>> -> memref<1x128xi32, #tpu.memory_space<vmem>>
      %dma_wait3A_609 = tpu.memref_squeeze %dma_wait3A_608 : memref<1x128xi32, #tpu.memory_space<vmem>> -> memref<128xi32, #tpu.memory_space<vmem>>
      %dma_wait3A_610 = arith.constant 0 : i32
      %dma_wait3A_611 = tpu.memref_slice %arg13[%dma_wait3A_610] : memref<100096xf32, #tpu.memory_space<vmem_shared>> -> memref<100096xf32, #tpu.memory_space<vmem_shared>>
      tpu.wait_indirect_dma semaphore(%run_scoped3A_601 : memref<!tpu.dma_semaphore, #tpu.memory_space<semaphore_mem>>) src(%arg9 : memref<128xf32, #tpu.memory_space<vmem>>) dst(%dma_wait3A_611 : memref<100096xf32, #tpu.memory_space<vmem_shared>>)
      tpu.yield
    }) : () -> ()
    %run_scoped3A_538 = arith.constant 1 : i32
    "tpu.region"() ({
      %run_scoped3A_601 = tpu.sem_alloc : memref<!tpu.dma_semaphore, #tpu.memory_space<semaphore_mem>>
      %dma_start3A_602 = arith.constant 0 : i32
      %dma_start3A_603 = tpu.memref_slice %arg8[%run_scoped3A_538, %dma_start3A_602] : memref<8x128xi32, #tpu.memory_space<vmem>> -> memref<1x128xi32, #tpu.memory_space<vmem>>
      %dma_start3A_604 = tpu.memref_squeeze %dma_start3A_603 : memref<1x128xi32, #tpu.memory_space<vmem>> -> memref<128xi32, #tpu.memory_space<vmem>>
      %dma_start3A_605 = arith.constant 0 : i32
      %dma_start3A_606 = tpu.memref_slice %arg13[%dma_start3A_605] : memref<100096xf32, #tpu.memory_space<vmem_shared>> -> memref<100096xf32, #tpu.memory_space<vmem_shared>>
      tpu.enqueue_indirect_dma source(%arg9 : memref<128xf32, #tpu.memory_space<vmem>>) target(%dma_start3A_606 : memref<100096xf32, #tpu.memory_space<vmem_shared>>) offsets(%dma_start3A_604 : memref<128xi32, #tpu.memory_space<vmem>>) semaphore(%run_scoped3A_601 : memref<!tpu.dma_semaphore, #tpu.memory_space<semaphore_mem>>)
      %dma_wait3A_607 = arith.constant 0 : i32
      %dma_wait3A_608 = tpu.memref_slice %arg8[%run_scoped3A_538, %dma_wait3A_607] : memref<8x128xi32, #tpu.memory_space<vmem>> -> memref<1x128xi32, #tpu.memory_space<vmem>>
      %dma_wait3A_609 = tpu.memref_squeeze %dma_wait3A_608 : memref<1x128xi32, #tpu.memory_space<vmem>> -> memref<128xi32, #tpu.memory_space<vmem>>
      %dma_wait3A_610 = arith.constant 0 : i32
      %dma_wait3A_611 = tpu.memref_slice %arg13[%dma_wait3A_610] : memref<100096xf32, #tpu.memory_space<vmem_shared>> -> memref<100096xf32, #tpu.memory_space<vmem_shared>>
      tpu.wait_indirect_dma semaphore(%run_scoped3A_601 : memref<!tpu.dma_semaphore, #tpu.memory_space<semaphore_mem>>) src(%arg9 : memref<128xf32, #tpu.memory_space<vmem>>) dst(%dma_wait3A_611 : memref<100096xf32, #tpu.memory_space<vmem_shared>>)
      tpu.yield
    }) : () -> ()
    %run_scoped3A_539 = arith.constant 2 : i32
    "tpu.region"() ({
      %run_scoped3A_601 = tpu.sem_alloc : memref<!tpu.dma_semaphore, #tpu.memory_space<semaphore_mem>>
      %dma_start3A_602 = arith.constant 0 : i32
      %dma_start3A_603 = tpu.memref_slice %arg8[%run_scoped3A_539, %dma_start3A_602] : memref<8x128xi32, #tpu.memory_space<vmem>> -> memref<1x128xi32, #tpu.memory_space<vmem>>
      %dma_start3A_604 = tpu.memref_squeeze %dma_start3A_603 : memref<1x128xi32, #tpu.memory_space<vmem>> -> memref<128xi32, #tpu.memory_space<vmem>>
      %dma_start3A_605 = arith.constant 0 : i32
      %dma_start3A_606 = tpu.memref_slice %arg13[%dma_start3A_605] : memref<100096xf32, #tpu.memory_space<vmem_shared>> -> memref<100096xf32, #tpu.memory_space<vmem_shared>>
      tpu.enqueue_indirect_dma source(%arg9 : memref<128xf32, #tpu.memory_space<vmem>>) target(%dma_start3A_606 : memref<100096xf32, #tpu.memory_space<vmem_shared>>) offsets(%dma_start3A_604 : memref<128xi32, #tpu.memory_space<vmem>>) semaphore(%run_scoped3A_601 : memref<!tpu.dma_semaphore, #tpu.memory_space<semaphore_mem>>)
      %dma_wait3A_607 = arith.constant 0 : i32
      %dma_wait3A_608 = tpu.memref_slice %arg8[%run_scoped3A_539, %dma_wait3A_607] : memref<8x128xi32, #tpu.memory_space<vmem>> -> memref<1x128xi32, #tpu.memory_space<vmem>>
      %dma_wait3A_609 = tpu.memref_squeeze %dma_wait3A_608 : memref<1x128xi32, #tpu.memory_space<vmem>> -> memref<128xi32, #tpu.memory_space<vmem>>
      %dma_wait3A_610 = arith.constant 0 : i32
      %dma_wait3A_611 = tpu.memref_slice %arg13[%dma_wait3A_610] : memref<100096xf32, #tpu.memory_space<vmem_shared>> -> memref<100096xf32, #tpu.memory_space<vmem_shared>>
      tpu.wait_indirect_dma semaphore(%run_scoped3A_601 : memref<!tpu.dma_semaphore, #tpu.memory_space<semaphore_mem>>) src(%arg9 : memref<128xf32, #tpu.memory_space<vmem>>) dst(%dma_wait3A_611 : memref<100096xf32, #tpu.memory_space<vmem_shared>>)
      tpu.yield
    }) : () -> ()
    %run_scoped3A_540 = arith.constant 3 : i32
    "tpu.region"() ({
      %run_scoped3A_601 = tpu.sem_alloc : memref<!tpu.dma_semaphore, #tpu.memory_space<semaphore_mem>>
      %dma_start3A_602 = arith.constant 0 : i32
      %dma_start3A_603 = tpu.memref_slice %arg8[%run_scoped3A_540, %dma_start3A_602] : memref<8x128xi32, #tpu.memory_space<vmem>> -> memref<1x128xi32, #tpu.memory_space<vmem>>
      %dma_start3A_604 = tpu.memref_squeeze %dma_start3A_603 : memref<1x128xi32, #tpu.memory_space<vmem>> -> memref<128xi32, #tpu.memory_space<vmem>>
      %dma_start3A_605 = arith.constant 0 : i32
      %dma_start3A_606 = tpu.memref_slice %arg13[%dma_start3A_605] : memref<100096xf32, #tpu.memory_space<vmem_shared>> -> memref<100096xf32, #tpu.memory_space<vmem_shared>>
      tpu.enqueue_indirect_dma source(%arg9 : memref<128xf32, #tpu.memory_space<vmem>>) target(%dma_start3A_606 : memref<100096xf32, #tpu.memory_space<vmem_shared>>) offsets(%dma_start3A_604 : memref<128xi32, #tpu.memory_space<vmem>>) semaphore(%run_scoped3A_601 : memref<!tpu.dma_semaphore, #tpu.memory_space<semaphore_mem>>)
      %dma_wait3A_607 = arith.constant 0 : i32
      %dma_wait3A_608 = tpu.memref_slice %arg8[%run_scoped3A_540, %dma_wait3A_607] : memref<8x128xi32, #tpu.memory_space<vmem>> -> memref<1x128xi32, #tpu.memory_space<vmem>>
      %dma_wait3A_609 = tpu.memref_squeeze %dma_wait3A_608 : memref<1x128xi32, #tpu.memory_space<vmem>> -> memref<128xi32, #tpu.memory_space<vmem>>
      %dma_wait3A_610 = arith.constant 0 : i32
      %dma_wait3A_611 = tpu.memref_slice %arg13[%dma_wait3A_610] : memref<100096xf32, #tpu.memory_space<vmem_shared>> -> memref<100096xf32, #tpu.memory_space<vmem_shared>>
      tpu.wait_indirect_dma semaphore(%run_scoped3A_601 : memref<!tpu.dma_semaphore, #tpu.memory_space<semaphore_mem>>) src(%arg9 : memref<128xf32, #tpu.memory_space<vmem>>) dst(%dma_wait3A_611 : memref<100096xf32, #tpu.memory_space<vmem_shared>>)
      tpu.yield
    }) : () -> ()
    %run_scoped3A_541 = arith.constant 4 : i32
    "tpu.region"() ({
      %run_scoped3A_601 = tpu.sem_alloc : memref<!tpu.dma_semaphore, #tpu.memory_space<semaphore_mem>>
      %dma_start3A_602 = arith.constant 0 : i32
      %dma_start3A_603 = tpu.memref_slice %arg8[%run_scoped3A_541, %dma_start3A_602] : memref<8x128xi32, #tpu.memory_space<vmem>> -> memref<1x128xi32, #tpu.memory_space<vmem>>
      %dma_start3A_604 = tpu.memref_squeeze %dma_start3A_603 : memref<1x128xi32, #tpu.memory_space<vmem>> -> memref<128xi32, #tpu.memory_space<vmem>>
      %dma_start3A_605 = arith.constant 0 : i32
      %dma_start3A_606 = tpu.memref_slice %arg13[%dma_start3A_605] : memref<100096xf32, #tpu.memory_space<vmem_shared>> -> memref<100096xf32, #tpu.memory_space<vmem_shared>>
      tpu.enqueue_indirect_dma source(%arg9 : memref<128xf32, #tpu.memory_space<vmem>>) target(%dma_start3A_606 : memref<100096xf32, #tpu.memory_space<vmem_shared>>) offsets(%dma_start3A_604 : memref<128xi32, #tpu.memory_space<vmem>>) semaphore(%run_scoped3A_601 : memref<!tpu.dma_semaphore, #tpu.memory_space<semaphore_mem>>)
      %dma_wait3A_607 = arith.constant 0 : i32
      %dma_wait3A_608 = tpu.memref_slice %arg8[%run_scoped3A_541, %dma_wait3A_607] : memref<8x128xi32, #tpu.memory_space<vmem>> -> memref<1x128xi32, #tpu.memory_space<vmem>>
      %dma_wait3A_609 = tpu.memref_squeeze %dma_wait3A_608 : memref<1x128xi32, #tpu.memory_space<vmem>> -> memref<128xi32, #tpu.memory_space<vmem>>
      %dma_wait3A_610 = arith.constant 0 : i32
      %dma_wait3A_611 = tpu.memref_slice %arg13[%dma_wait3A_610] : memref<100096xf32, #tpu.memory_space<vmem_shared>> -> memref<100096xf32, #tpu.memory_space<vmem_shared>>
      tpu.wait_indirect_dma semaphore(%run_scoped3A_601 : memref<!tpu.dma_semaphore, #tpu.memory_space<semaphore_mem>>) src(%arg9 : memref<128xf32, #tpu.memory_space<vmem>>) dst(%dma_wait3A_611 : memref<100096xf32, #tpu.memory_space<vmem_shared>>)
      tpu.yield
    }) : () -> ()
    %run_scoped3A_542 = arith.constant 5 : i32
    "tpu.region"() ({
      %run_scoped3A_601 = tpu.sem_alloc : memref<!tpu.dma_semaphore, #tpu.memory_space<semaphore_mem>>
      %dma_start3A_602 = arith.constant 0 : i32
      %dma_start3A_603 = tpu.memref_slice %arg8[%run_scoped3A_542, %dma_start3A_602] : memref<8x128xi32, #tpu.memory_space<vmem>> -> memref<1x128xi32, #tpu.memory_space<vmem>>
      %dma_start3A_604 = tpu.memref_squeeze %dma_start3A_603 : memref<1x128xi32, #tpu.memory_space<vmem>> -> memref<128xi32, #tpu.memory_space<vmem>>
      %dma_start3A_605 = arith.constant 0 : i32
      %dma_start3A_606 = tpu.memref_slice %arg13[%dma_start3A_605] : memref<100096xf32, #tpu.memory_space<vmem_shared>> -> memref<100096xf32, #tpu.memory_space<vmem_shared>>
      tpu.enqueue_indirect_dma source(%arg9 : memref<128xf32, #tpu.memory_space<vmem>>) target(%dma_start3A_606 : memref<100096xf32, #tpu.memory_space<vmem_shared>>) offsets(%dma_start3A_604 : memref<128xi32, #tpu.memory_space<vmem>>) semaphore(%run_scoped3A_601 : memref<!tpu.dma_semaphore, #tpu.memory_space<semaphore_mem>>)
      %dma_wait3A_607 = arith.constant 0 : i32
      %dma_wait3A_608 = tpu.memref_slice %arg8[%run_scoped3A_542, %dma_wait3A_607] : memref<8x128xi32, #tpu.memory_space<vmem>> -> memref<1x128xi32, #tpu.memory_space<vmem>>
      %dma_wait3A_609 = tpu.memref_squeeze %dma_wait3A_608 : memref<1x128xi32, #tpu.memory_space<vmem>> -> memref<128xi32, #tpu.memory_space<vmem>>
      %dma_wait3A_610 = arith.constant 0 : i32
      %dma_wait3A_611 = tpu.memref_slice %arg13[%dma_wait3A_610] : memref<100096xf32, #tpu.memory_space<vmem_shared>> -> memref<100096xf32, #tpu.memory_space<vmem_shared>>
      tpu.wait_indirect_dma semaphore(%run_scoped3A_601 : memref<!tpu.dma_semaphore, #tpu.memory_space<semaphore_mem>>) src(%arg9 : memref<128xf32, #tpu.memory_space<vmem>>) dst(%dma_wait3A_611 : memref<100096xf32, #tpu.memory_space<vmem_shared>>)
      tpu.yield
    }) : () -> ()
    %run_scoped3A_543 = arith.constant 6 : i32
    "tpu.region"() ({
      %run_scoped3A_601 = tpu.sem_alloc : memref<!tpu.dma_semaphore, #tpu.memory_space<semaphore_mem>>
      %dma_start3A_602 = arith.constant 0 : i32
      %dma_start3A_603 = tpu.memref_slice %arg8[%run_scoped3A_543, %dma_start3A_602] : memref<8x128xi32, #tpu.memory_space<vmem>> -> memref<1x128xi32, #tpu.memory_space<vmem>>
      %dma_start3A_604 = tpu.memref_squeeze %dma_start3A_603 : memref<1x128xi32, #tpu.memory_space<vmem>> -> memref<128xi32, #tpu.memory_space<vmem>>
      %dma_start3A_605 = arith.constant 0 : i32
      %dma_start3A_606 = tpu.memref_slice %arg13[%dma_start3A_605] : memref<100096xf32, #tpu.memory_space<vmem_shared>> -> memref<100096xf32, #tpu.memory_space<vmem_shared>>
      tpu.enqueue_indirect_dma source(%arg9 : memref<128xf32, #tpu.memory_space<vmem>>) target(%dma_start3A_606 : memref<100096xf32, #tpu.memory_space<vmem_shared>>) offsets(%dma_start3A_604 : memref<128xi32, #tpu.memory_space<vmem>>) semaphore(%run_scoped3A_601 : memref<!tpu.dma_semaphore, #tpu.memory_space<semaphore_mem>>)
      %dma_wait3A_607 = arith.constant 0 : i32
      %dma_wait3A_608 = tpu.memref_slice %arg8[%run_scoped3A_543, %dma_wait3A_607] : memref<8x128xi32, #tpu.memory_space<vmem>> -> memref<1x128xi32, #tpu.memory_space<vmem>>
      %dma_wait3A_609 = tpu.memref_squeeze %dma_wait3A_608 : memref<1x128xi32, #tpu.memory_space<vmem>> -> memref<128xi32, #tpu.memory_space<vmem>>
      %dma_wait3A_610 = arith.constant 0 : i32
      %dma_wait3A_611 = tpu.memref_slice %arg13[%dma_wait3A_610] : memref<100096xf32, #tpu.memory_space<vmem_shared>> -> memref<100096xf32, #tpu.memory_space<vmem_shared>>
      tpu.wait_indirect_dma semaphore(%run_scoped3A_601 : memref<!tpu.dma_semaphore, #tpu.memory_space<semaphore_mem>>) src(%arg9 : memref<128xf32, #tpu.memory_space<vmem>>) dst(%dma_wait3A_611 : memref<100096xf32, #tpu.memory_space<vmem_shared>>)
      tpu.yield
    }) : () -> ()
    %run_scoped3A_544 = arith.constant 7 : i32
    "tpu.region"() ({
      %run_scoped3A_601 = tpu.sem_alloc : memref<!tpu.dma_semaphore, #tpu.memory_space<semaphore_mem>>
      %dma_start3A_602 = arith.constant 0 : i32
      %dma_start3A_603 = tpu.memref_slice %arg8[%run_scoped3A_544, %dma_start3A_602] : memref<8x128xi32, #tpu.memory_space<vmem>> -> memref<1x128xi32, #tpu.memory_space<vmem>>
      %dma_start3A_604 = tpu.memref_squeeze %dma_start3A_603 : memref<1x128xi32, #tpu.memory_space<vmem>> -> memref<128xi32, #tpu.memory_space<vmem>>
      %dma_start3A_605 = arith.constant 0 : i32
      %dma_start3A_606 = tpu.memref_slice %arg13[%dma_start3A_605] : memref<100096xf32, #tpu.memory_space<vmem_shared>> -> memref<100096xf32, #tpu.memory_space<vmem_shared>>
      tpu.enqueue_indirect_dma source(%arg9 : memref<128xf32, #tpu.memory_space<vmem>>) target(%dma_start3A_606 : memref<100096xf32, #tpu.memory_space<vmem_shared>>) offsets(%dma_start3A_604 : memref<128xi32, #tpu.memory_space<vmem>>) semaphore(%run_scoped3A_601 : memref<!tpu.dma_semaphore, #tpu.memory_space<semaphore_mem>>)
      %dma_wait3A_607 = arith.constant 0 : i32
      %dma_wait3A_608 = tpu.memref_slice %arg8[%run_scoped3A_544, %dma_wait3A_607] : memref<8x128xi32, #tpu.memory_space<vmem>> -> memref<1x128xi32, #tpu.memory_space<vmem>>
      %dma_wait3A_609 = tpu.memref_squeeze %dma_wait3A_608 : memref<1x128xi32, #tpu.memory_space<vmem>> -> memref<128xi32, #tpu.memory_space<vmem>>
      %dma_wait3A_610 = arith.constant 0 : i32
      %dma_wait3A_611 = tpu.memref_slice %arg13[%dma_wait3A_610] : memref<100096xf32, #tpu.memory_space<vmem_shared>> -> memref<100096xf32, #tpu.memory_space<vmem_shared>>
      tpu.wait_indirect_dma semaphore(%run_scoped3A_601 : memref<!tpu.dma_semaphore, #tpu.memory_space<semaphore_mem>>) src(%arg9 : memref<128xf32, #tpu.memory_space<vmem>>) dst(%dma_wait3A_611 : memref<100096xf32, #tpu.memory_space<vmem_shared>>)
      tpu.yield
    }) : () -> ()
    %barrier3A = arith.constant 0 : index
    tpu.barrier barrier_id(%barrier3A)
    %run_scoped3A_545 = arith.constant 0 : i32
    "tpu.region"() ({
      %run_scoped3A_601 = tpu.sem_alloc : memref<!tpu.dma_semaphore, #tpu.memory_space<semaphore_mem>>
      %dma_start3A_602 = arith.constant 0 : i32
      %dma_start3A_603 = tpu.memref_slice %arg8[%run_scoped3A_545, %dma_start3A_602] : memref<8x128xi32, #tpu.memory_space<vmem>> -> memref<1x128xi32, #tpu.memory_space<vmem>>
      %dma_start3A_604 = tpu.memref_squeeze %dma_start3A_603 : memref<1x128xi32, #tpu.memory_space<vmem>> -> memref<128xi32, #tpu.memory_space<vmem>>
      %dma_start3A_605 = arith.constant 0 : i32
      %dma_start3A_606 = tpu.memref_slice %arg13[%dma_start3A_605] : memref<100096xf32, #tpu.memory_space<vmem_shared>> -> memref<100096xf32, #tpu.memory_space<vmem_shared>>
      tpu.enqueue_indirect_dma source(%arg10 : memref<128xf32, #tpu.memory_space<vmem>>) target(%dma_start3A_606 : memref<100096xf32, #tpu.memory_space<vmem_shared>>) offsets(%dma_start3A_604 : memref<128xi32, #tpu.memory_space<vmem>>) semaphore(%run_scoped3A_601 : memref<!tpu.dma_semaphore, #tpu.memory_space<semaphore_mem>>) {add = true}
      %dma_wait3A_607 = arith.constant 0 : i32
      %dma_wait3A_608 = tpu.memref_slice %arg8[%run_scoped3A_545, %dma_wait3A_607] : memref<8x128xi32, #tpu.memory_space<vmem>> -> memref<1x128xi32, #tpu.memory_space<vmem>>
      %dma_wait3A_609 = tpu.memref_squeeze %dma_wait3A_608 : memref<1x128xi32, #tpu.memory_space<vmem>> -> memref<128xi32, #tpu.memory_space<vmem>>
      %dma_wait3A_610 = arith.constant 0 : i32
      %dma_wait3A_611 = tpu.memref_slice %arg13[%dma_wait3A_610] : memref<100096xf32, #tpu.memory_space<vmem_shared>> -> memref<100096xf32, #tpu.memory_space<vmem_shared>>
      tpu.wait_indirect_dma semaphore(%run_scoped3A_601 : memref<!tpu.dma_semaphore, #tpu.memory_space<semaphore_mem>>) src(%arg10 : memref<128xf32, #tpu.memory_space<vmem>>) dst(%dma_wait3A_611 : memref<100096xf32, #tpu.memory_space<vmem_shared>>)
      tpu.yield
    }) : () -> ()
    %run_scoped3A_546 = arith.constant 1 : i32
    "tpu.region"() ({
      %run_scoped3A_601 = tpu.sem_alloc : memref<!tpu.dma_semaphore, #tpu.memory_space<semaphore_mem>>
      %dma_start3A_602 = arith.constant 0 : i32
      %dma_start3A_603 = tpu.memref_slice %arg8[%run_scoped3A_546, %dma_start3A_602] : memref<8x128xi32, #tpu.memory_space<vmem>> -> memref<1x128xi32, #tpu.memory_space<vmem>>
      %dma_start3A_604 = tpu.memref_squeeze %dma_start3A_603 : memref<1x128xi32, #tpu.memory_space<vmem>> -> memref<128xi32, #tpu.memory_space<vmem>>
      %dma_start3A_605 = arith.constant 0 : i32
      %dma_start3A_606 = tpu.memref_slice %arg13[%dma_start3A_605] : memref<100096xf32, #tpu.memory_space<vmem_shared>> -> memref<100096xf32, #tpu.memory_space<vmem_shared>>
      tpu.enqueue_indirect_dma source(%arg10 : memref<128xf32, #tpu.memory_space<vmem>>) target(%dma_start3A_606 : memref<100096xf32, #tpu.memory_space<vmem_shared>>) offsets(%dma_start3A_604 : memref<128xi32, #tpu.memory_space<vmem>>) semaphore(%run_scoped3A_601 : memref<!tpu.dma_semaphore, #tpu.memory_space<semaphore_mem>>) {add = true}
      %dma_wait3A_607 = arith.constant 0 : i32
      %dma_wait3A_608 = tpu.memref_slice %arg8[%run_scoped3A_546, %dma_wait3A_607] : memref<8x128xi32, #tpu.memory_space<vmem>> -> memref<1x128xi32, #tpu.memory_space<vmem>>
      %dma_wait3A_609 = tpu.memref_squeeze %dma_wait3A_608 : memref<1x128xi32, #tpu.memory_space<vmem>> -> memref<128xi32, #tpu.memory_space<vmem>>
      %dma_wait3A_610 = arith.constant 0 : i32
      %dma_wait3A_611 = tpu.memref_slice %arg13[%dma_wait3A_610] : memref<100096xf32, #tpu.memory_space<vmem_shared>> -> memref<100096xf32, #tpu.memory_space<vmem_shared>>
      tpu.wait_indirect_dma semaphore(%run_scoped3A_601 : memref<!tpu.dma_semaphore, #tpu.memory_space<semaphore_mem>>) src(%arg10 : memref<128xf32, #tpu.memory_space<vmem>>) dst(%dma_wait3A_611 : memref<100096xf32, #tpu.memory_space<vmem_shared>>)
      tpu.yield
    }) : () -> ()
    %run_scoped3A_547 = arith.constant 2 : i32
    "tpu.region"() ({
      %run_scoped3A_601 = tpu.sem_alloc : memref<!tpu.dma_semaphore, #tpu.memory_space<semaphore_mem>>
      %dma_start3A_602 = arith.constant 0 : i32
      %dma_start3A_603 = tpu.memref_slice %arg8[%run_scoped3A_547, %dma_start3A_602] : memref<8x128xi32, #tpu.memory_space<vmem>> -> memref<1x128xi32, #tpu.memory_space<vmem>>
      %dma_start3A_604 = tpu.memref_squeeze %dma_start3A_603 : memref<1x128xi32, #tpu.memory_space<vmem>> -> memref<128xi32, #tpu.memory_space<vmem>>
      %dma_start3A_605 = arith.constant 0 : i32
      %dma_start3A_606 = tpu.memref_slice %arg13[%dma_start3A_605] : memref<100096xf32, #tpu.memory_space<vmem_shared>> -> memref<100096xf32, #tpu.memory_space<vmem_shared>>
      tpu.enqueue_indirect_dma source(%arg10 : memref<128xf32, #tpu.memory_space<vmem>>) target(%dma_start3A_606 : memref<100096xf32, #tpu.memory_space<vmem_shared>>) offsets(%dma_start3A_604 : memref<128xi32, #tpu.memory_space<vmem>>) semaphore(%run_scoped3A_601 : memref<!tpu.dma_semaphore, #tpu.memory_space<semaphore_mem>>) {add = true}
      %dma_wait3A_607 = arith.constant 0 : i32
      %dma_wait3A_608 = tpu.memref_slice %arg8[%run_scoped3A_547, %dma_wait3A_607] : memref<8x128xi32, #tpu.memory_space<vmem>> -> memref<1x128xi32, #tpu.memory_space<vmem>>
      %dma_wait3A_609 = tpu.memref_squeeze %dma_wait3A_608 : memref<1x128xi32, #tpu.memory_space<vmem>> -> memref<128xi32, #tpu.memory_space<vmem>>
      %dma_wait3A_610 = arith.constant 0 : i32
      %dma_wait3A_611 = tpu.memref_slice %arg13[%dma_wait3A_610] : memref<100096xf32, #tpu.memory_space<vmem_shared>> -> memref<100096xf32, #tpu.memory_space<vmem_shared>>
      tpu.wait_indirect_dma semaphore(%run_scoped3A_601 : memref<!tpu.dma_semaphore, #tpu.memory_space<semaphore_mem>>) src(%arg10 : memref<128xf32, #tpu.memory_space<vmem>>) dst(%dma_wait3A_611 : memref<100096xf32, #tpu.memory_space<vmem_shared>>)
      tpu.yield
    }) : () -> ()
    %run_scoped3A_548 = arith.constant 3 : i32
    "tpu.region"() ({
      %run_scoped3A_601 = tpu.sem_alloc : memref<!tpu.dma_semaphore, #tpu.memory_space<semaphore_mem>>
      %dma_start3A_602 = arith.constant 0 : i32
      %dma_start3A_603 = tpu.memref_slice %arg8[%run_scoped3A_548, %dma_start3A_602] : memref<8x128xi32, #tpu.memory_space<vmem>> -> memref<1x128xi32, #tpu.memory_space<vmem>>
      %dma_start3A_604 = tpu.memref_squeeze %dma_start3A_603 : memref<1x128xi32, #tpu.memory_space<vmem>> -> memref<128xi32, #tpu.memory_space<vmem>>
      %dma_start3A_605 = arith.constant 0 : i32
      %dma_start3A_606 = tpu.memref_slice %arg13[%dma_start3A_605] : memref<100096xf32, #tpu.memory_space<vmem_shared>> -> memref<100096xf32, #tpu.memory_space<vmem_shared>>
      tpu.enqueue_indirect_dma source(%arg10 : memref<128xf32, #tpu.memory_space<vmem>>) target(%dma_start3A_606 : memref<100096xf32, #tpu.memory_space<vmem_shared>>) offsets(%dma_start3A_604 : memref<128xi32, #tpu.memory_space<vmem>>) semaphore(%run_scoped3A_601 : memref<!tpu.dma_semaphore, #tpu.memory_space<semaphore_mem>>) {add = true}
      %dma_wait3A_607 = arith.constant 0 : i32
      %dma_wait3A_608 = tpu.memref_slice %arg8[%run_scoped3A_548, %dma_wait3A_607] : memref<8x128xi32, #tpu.memory_space<vmem>> -> memref<1x128xi32, #tpu.memory_space<vmem>>
      %dma_wait3A_609 = tpu.memref_squeeze %dma_wait3A_608 : memref<1x128xi32, #tpu.memory_space<vmem>> -> memref<128xi32, #tpu.memory_space<vmem>>
      %dma_wait3A_610 = arith.constant 0 : i32
      %dma_wait3A_611 = tpu.memref_slice %arg13[%dma_wait3A_610] : memref<100096xf32, #tpu.memory_space<vmem_shared>> -> memref<100096xf32, #tpu.memory_space<vmem_shared>>
      tpu.wait_indirect_dma semaphore(%run_scoped3A_601 : memref<!tpu.dma_semaphore, #tpu.memory_space<semaphore_mem>>) src(%arg10 : memref<128xf32, #tpu.memory_space<vmem>>) dst(%dma_wait3A_611 : memref<100096xf32, #tpu.memory_space<vmem_shared>>)
      tpu.yield
    }) : () -> ()
    %run_scoped3A_549 = arith.constant 4 : i32
    "tpu.region"() ({
      %run_scoped3A_601 = tpu.sem_alloc : memref<!tpu.dma_semaphore, #tpu.memory_space<semaphore_mem>>
      %dma_start3A_602 = arith.constant 0 : i32
      %dma_start3A_603 = tpu.memref_slice %arg8[%run_scoped3A_549, %dma_start3A_602] : memref<8x128xi32, #tpu.memory_space<vmem>> -> memref<1x128xi32, #tpu.memory_space<vmem>>
      %dma_start3A_604 = tpu.memref_squeeze %dma_start3A_603 : memref<1x128xi32, #tpu.memory_space<vmem>> -> memref<128xi32, #tpu.memory_space<vmem>>
      %dma_start3A_605 = arith.constant 0 : i32
      %dma_start3A_606 = tpu.memref_slice %arg13[%dma_start3A_605] : memref<100096xf32, #tpu.memory_space<vmem_shared>> -> memref<100096xf32, #tpu.memory_space<vmem_shared>>
      tpu.enqueue_indirect_dma source(%arg10 : memref<128xf32, #tpu.memory_space<vmem>>) target(%dma_start3A_606 : memref<100096xf32, #tpu.memory_space<vmem_shared>>) offsets(%dma_start3A_604 : memref<128xi32, #tpu.memory_space<vmem>>) semaphore(%run_scoped3A_601 : memref<!tpu.dma_semaphore, #tpu.memory_space<semaphore_mem>>) {add = true}
      %dma_wait3A_607 = arith.constant 0 : i32
      %dma_wait3A_608 = tpu.memref_slice %arg8[%run_scoped3A_549, %dma_wait3A_607] : memref<8x128xi32, #tpu.memory_space<vmem>> -> memref<1x128xi32, #tpu.memory_space<vmem>>
      %dma_wait3A_609 = tpu.memref_squeeze %dma_wait3A_608 : memref<1x128xi32, #tpu.memory_space<vmem>> -> memref<128xi32, #tpu.memory_space<vmem>>
      %dma_wait3A_610 = arith.constant 0 : i32
      %dma_wait3A_611 = tpu.memref_slice %arg13[%dma_wait3A_610] : memref<100096xf32, #tpu.memory_space<vmem_shared>> -> memref<100096xf32, #tpu.memory_space<vmem_shared>>
      tpu.wait_indirect_dma semaphore(%run_scoped3A_601 : memref<!tpu.dma_semaphore, #tpu.memory_space<semaphore_mem>>) src(%arg10 : memref<128xf32, #tpu.memory_space<vmem>>) dst(%dma_wait3A_611 : memref<100096xf32, #tpu.memory_space<vmem_shared>>)
      tpu.yield
    }) : () -> ()
    %run_scoped3A_550 = arith.constant 5 : i32
    "tpu.region"() ({
      %run_scoped3A_601 = tpu.sem_alloc : memref<!tpu.dma_semaphore, #tpu.memory_space<semaphore_mem>>
      %dma_start3A_602 = arith.constant 0 : i32
      %dma_start3A_603 = tpu.memref_slice %arg8[%run_scoped3A_550, %dma_start3A_602] : memref<8x128xi32, #tpu.memory_space<vmem>> -> memref<1x128xi32, #tpu.memory_space<vmem>>
      %dma_start3A_604 = tpu.memref_squeeze %dma_start3A_603 : memref<1x128xi32, #tpu.memory_space<vmem>> -> memref<128xi32, #tpu.memory_space<vmem>>
      %dma_start3A_605 = arith.constant 0 : i32
      %dma_start3A_606 = tpu.memref_slice %arg13[%dma_start3A_605] : memref<100096xf32, #tpu.memory_space<vmem_shared>> -> memref<100096xf32, #tpu.memory_space<vmem_shared>>
      tpu.enqueue_indirect_dma source(%arg10 : memref<128xf32, #tpu.memory_space<vmem>>) target(%dma_start3A_606 : memref<100096xf32, #tpu.memory_space<vmem_shared>>) offsets(%dma_start3A_604 : memref<128xi32, #tpu.memory_space<vmem>>) semaphore(%run_scoped3A_601 : memref<!tpu.dma_semaphore, #tpu.memory_space<semaphore_mem>>) {add = true}
      %dma_wait3A_607 = arith.constant 0 : i32
      %dma_wait3A_608 = tpu.memref_slice %arg8[%run_scoped3A_550, %dma_wait3A_607] : memref<8x128xi32, #tpu.memory_space<vmem>> -> memref<1x128xi32, #tpu.memory_space<vmem>>
      %dma_wait3A_609 = tpu.memref_squeeze %dma_wait3A_608 : memref<1x128xi32, #tpu.memory_space<vmem>> -> memref<128xi32, #tpu.memory_space<vmem>>
      %dma_wait3A_610 = arith.constant 0 : i32
      %dma_wait3A_611 = tpu.memref_slice %arg13[%dma_wait3A_610] : memref<100096xf32, #tpu.memory_space<vmem_shared>> -> memref<100096xf32, #tpu.memory_space<vmem_shared>>
      tpu.wait_indirect_dma semaphore(%run_scoped3A_601 : memref<!tpu.dma_semaphore, #tpu.memory_space<semaphore_mem>>) src(%arg10 : memref<128xf32, #tpu.memory_space<vmem>>) dst(%dma_wait3A_611 : memref<100096xf32, #tpu.memory_space<vmem_shared>>)
      tpu.yield
    }) : () -> ()
    %run_scoped3A_551 = arith.constant 6 : i32
    "tpu.region"() ({
      %run_scoped3A_601 = tpu.sem_alloc : memref<!tpu.dma_semaphore, #tpu.memory_space<semaphore_mem>>
      %dma_start3A_602 = arith.constant 0 : i32
      %dma_start3A_603 = tpu.memref_slice %arg8[%run_scoped3A_551, %dma_start3A_602] : memref<8x128xi32, #tpu.memory_space<vmem>> -> memref<1x128xi32, #tpu.memory_space<vmem>>
      %dma_start3A_604 = tpu.memref_squeeze %dma_start3A_603 : memref<1x128xi32, #tpu.memory_space<vmem>> -> memref<128xi32, #tpu.memory_space<vmem>>
      %dma_start3A_605 = arith.constant 0 : i32
      %dma_start3A_606 = tpu.memref_slice %arg13[%dma_start3A_605] : memref<100096xf32, #tpu.memory_space<vmem_shared>> -> memref<100096xf32, #tpu.memory_space<vmem_shared>>
      tpu.enqueue_indirect_dma source(%arg10 : memref<128xf32, #tpu.memory_space<vmem>>) target(%dma_start3A_606 : memref<100096xf32, #tpu.memory_space<vmem_shared>>) offsets(%dma_start3A_604 : memref<128xi32, #tpu.memory_space<vmem>>) semaphore(%run_scoped3A_601 : memref<!tpu.dma_semaphore, #tpu.memory_space<semaphore_mem>>) {add = true}
      %dma_wait3A_607 = arith.constant 0 : i32
      %dma_wait3A_608 = tpu.memref_slice %arg8[%run_scoped3A_551, %dma_wait3A_607] : memref<8x128xi32, #tpu.memory_space<vmem>> -> memref<1x128xi32, #tpu.memory_space<vmem>>
      %dma_wait3A_609 = tpu.memref_squeeze %dma_wait3A_608 : memref<1x128xi32, #tpu.memory_space<vmem>> -> memref<128xi32, #tpu.memory_space<vmem>>
      %dma_wait3A_610 = arith.constant 0 : i32
      %dma_wait3A_611 = tpu.memref_slice %arg13[%dma_wait3A_610] : memref<100096xf32, #tpu.memory_space<vmem_shared>> -> memref<100096xf32, #tpu.memory_space<vmem_shared>>
      tpu.wait_indirect_dma semaphore(%run_scoped3A_601 : memref<!tpu.dma_semaphore, #tpu.memory_space<semaphore_mem>>) src(%arg10 : memref<128xf32, #tpu.memory_space<vmem>>) dst(%dma_wait3A_611 : memref<100096xf32, #tpu.memory_space<vmem_shared>>)
      tpu.yield
    }) : () -> ()
    %run_scoped3A_552 = arith.constant 7 : i32
    "tpu.region"() ({
      %run_scoped3A_601 = tpu.sem_alloc : memref<!tpu.dma_semaphore, #tpu.memory_space<semaphore_mem>>
      %dma_start3A_602 = arith.constant 0 : i32
      %dma_start3A_603 = tpu.memref_slice %arg8[%run_scoped3A_552, %dma_start3A_602] : memref<8x128xi32, #tpu.memory_space<vmem>> -> memref<1x128xi32, #tpu.memory_space<vmem>>
      %dma_start3A_604 = tpu.memref_squeeze %dma_start3A_603 : memref<1x128xi32, #tpu.memory_space<vmem>> -> memref<128xi32, #tpu.memory_space<vmem>>
      %dma_start3A_605 = arith.constant 0 : i32
      %dma_start3A_606 = tpu.memref_slice %arg13[%dma_start3A_605] : memref<100096xf32, #tpu.memory_space<vmem_shared>> -> memref<100096xf32, #tpu.memory_space<vmem_shared>>
      tpu.enqueue_indirect_dma source(%arg10 : memref<128xf32, #tpu.memory_space<vmem>>) target(%dma_start3A_606 : memref<100096xf32, #tpu.memory_space<vmem_shared>>) offsets(%dma_start3A_604 : memref<128xi32, #tpu.memory_space<vmem>>) semaphore(%run_scoped3A_601 : memref<!tpu.dma_semaphore, #tpu.memory_space<semaphore_mem>>) {add = true}
      %dma_wait3A_607 = arith.constant 0 : i32
      %dma_wait3A_608 = tpu.memref_slice %arg8[%run_scoped3A_552, %dma_wait3A_607] : memref<8x128xi32, #tpu.memory_space<vmem>> -> memref<1x128xi32, #tpu.memory_space<vmem>>
      %dma_wait3A_609 = tpu.memref_squeeze %dma_wait3A_608 : memref<1x128xi32, #tpu.memory_space<vmem>> -> memref<128xi32, #tpu.memory_space<vmem>>
      %dma_wait3A_610 = arith.constant 0 : i32
      %dma_wait3A_611 = tpu.memref_slice %arg13[%dma_wait3A_610] : memref<100096xf32, #tpu.memory_space<vmem_shared>> -> memref<100096xf32, #tpu.memory_space<vmem_shared>>
      tpu.wait_indirect_dma semaphore(%run_scoped3A_601 : memref<!tpu.dma_semaphore, #tpu.memory_space<semaphore_mem>>) src(%arg10 : memref<128xf32, #tpu.memory_space<vmem>>) dst(%dma_wait3A_611 : memref<100096xf32, #tpu.memory_space<vmem_shared>>)
      tpu.yield
    }) : () -> ()
    %barrier3A_553 = arith.constant 0 : index
    tpu.barrier barrier_id(%barrier3A_553)
    %run_scoped3A_554 = arith.constant 0 : i32
    "tpu.region"() ({
      %run_scoped3A_601 = tpu.sem_alloc : memref<!tpu.dma_semaphore, #tpu.memory_space<semaphore_mem>>
      %dma_start3A_602 = arith.constant 0 : i32
      %dma_start3A_603 = tpu.memref_slice %arg11[%dma_start3A_602] : memref<512xf32, #tpu.memory_space<vmem>> -> memref<128xf32, #tpu.memory_space<vmem>>
      %dma_start3A_604 = arith.constant 0 : i32
      %dma_start3A_605 = tpu.memref_slice %arg6[%run_scoped3A_554, %dma_start3A_604] : memref<4x128xi32, #tpu.memory_space<vmem>> -> memref<1x128xi32, #tpu.memory_space<vmem>>
      %dma_start3A_606 = tpu.memref_squeeze %dma_start3A_605 : memref<1x128xi32, #tpu.memory_space<vmem>> -> memref<128xi32, #tpu.memory_space<vmem>>
      %dma_start3A_607 = arith.constant 0 : i32
      %dma_start3A_608 = tpu.memref_slice %arg13[%dma_start3A_607] : memref<100096xf32, #tpu.memory_space<vmem_shared>> -> memref<100096xf32, #tpu.memory_space<vmem_shared>>
      tpu.enqueue_indirect_dma source(%dma_start3A_608 : memref<100096xf32, #tpu.memory_space<vmem_shared>>) target(%dma_start3A_603 : memref<128xf32, #tpu.memory_space<vmem>>) offsets(%dma_start3A_606 : memref<128xi32, #tpu.memory_space<vmem>>) semaphore(%run_scoped3A_601 : memref<!tpu.dma_semaphore, #tpu.memory_space<semaphore_mem>>)
      %dma_wait3A_609 = arith.constant 0 : i32
      %dma_wait3A_610 = tpu.memref_slice %arg11[%dma_wait3A_609] : memref<512xf32, #tpu.memory_space<vmem>> -> memref<128xf32, #tpu.memory_space<vmem>>
      %dma_wait3A_611 = arith.constant 0 : i32
      %dma_wait3A_612 = tpu.memref_slice %arg6[%run_scoped3A_554, %dma_wait3A_611] : memref<4x128xi32, #tpu.memory_space<vmem>> -> memref<1x128xi32, #tpu.memory_space<vmem>>
      %dma_wait3A_613 = tpu.memref_squeeze %dma_wait3A_612 : memref<1x128xi32, #tpu.memory_space<vmem>> -> memref<128xi32, #tpu.memory_space<vmem>>
      %dma_wait3A_614 = arith.constant 0 : i32
      %dma_wait3A_615 = tpu.memref_slice %arg13[%dma_wait3A_614] : memref<100096xf32, #tpu.memory_space<vmem_shared>> -> memref<100096xf32, #tpu.memory_space<vmem_shared>>
      tpu.wait_indirect_dma semaphore(%run_scoped3A_601 : memref<!tpu.dma_semaphore, #tpu.memory_space<semaphore_mem>>) src(%dma_wait3A_615 : memref<100096xf32, #tpu.memory_space<vmem_shared>>) dst(%dma_wait3A_610 : memref<128xf32, #tpu.memory_space<vmem>>)
      tpu.yield
    }) : () -> ()
    %run_scoped3A_555 = arith.constant 1 : i32
    "tpu.region"() ({
      %run_scoped3A_601 = tpu.sem_alloc : memref<!tpu.dma_semaphore, #tpu.memory_space<semaphore_mem>>
      %dma_start3A_602 = arith.constant 128 : i32
      %dma_start3A_603 = tpu.memref_slice %arg11[%dma_start3A_602] : memref<512xf32, #tpu.memory_space<vmem>> -> memref<128xf32, #tpu.memory_space<vmem>>
      %dma_start3A_604 = arith.constant 0 : i32
      %dma_start3A_605 = tpu.memref_slice %arg6[%run_scoped3A_555, %dma_start3A_604] : memref<4x128xi32, #tpu.memory_space<vmem>> -> memref<1x128xi32, #tpu.memory_space<vmem>>
      %dma_start3A_606 = tpu.memref_squeeze %dma_start3A_605 : memref<1x128xi32, #tpu.memory_space<vmem>> -> memref<128xi32, #tpu.memory_space<vmem>>
      %dma_start3A_607 = arith.constant 0 : i32
      %dma_start3A_608 = tpu.memref_slice %arg13[%dma_start3A_607] : memref<100096xf32, #tpu.memory_space<vmem_shared>> -> memref<100096xf32, #tpu.memory_space<vmem_shared>>
      tpu.enqueue_indirect_dma source(%dma_start3A_608 : memref<100096xf32, #tpu.memory_space<vmem_shared>>) target(%dma_start3A_603 : memref<128xf32, #tpu.memory_space<vmem>>) offsets(%dma_start3A_606 : memref<128xi32, #tpu.memory_space<vmem>>) semaphore(%run_scoped3A_601 : memref<!tpu.dma_semaphore, #tpu.memory_space<semaphore_mem>>)
      %dma_wait3A_609 = arith.constant 128 : i32
      %dma_wait3A_610 = tpu.memref_slice %arg11[%dma_wait3A_609] : memref<512xf32, #tpu.memory_space<vmem>> -> memref<128xf32, #tpu.memory_space<vmem>>
      %dma_wait3A_611 = arith.constant 0 : i32
      %dma_wait3A_612 = tpu.memref_slice %arg6[%run_scoped3A_555, %dma_wait3A_611] : memref<4x128xi32, #tpu.memory_space<vmem>> -> memref<1x128xi32, #tpu.memory_space<vmem>>
      %dma_wait3A_613 = tpu.memref_squeeze %dma_wait3A_612 : memref<1x128xi32, #tpu.memory_space<vmem>> -> memref<128xi32, #tpu.memory_space<vmem>>
      %dma_wait3A_614 = arith.constant 0 : i32
      %dma_wait3A_615 = tpu.memref_slice %arg13[%dma_wait3A_614] : memref<100096xf32, #tpu.memory_space<vmem_shared>> -> memref<100096xf32, #tpu.memory_space<vmem_shared>>
      tpu.wait_indirect_dma semaphore(%run_scoped3A_601 : memref<!tpu.dma_semaphore, #tpu.memory_space<semaphore_mem>>) src(%dma_wait3A_615 : memref<100096xf32, #tpu.memory_space<vmem_shared>>) dst(%dma_wait3A_610 : memref<128xf32, #tpu.memory_space<vmem>>)
      tpu.yield
    }) : () -> ()
    %run_scoped3A_556 = arith.constant 2 : i32
    "tpu.region"() ({
      %run_scoped3A_601 = tpu.sem_alloc : memref<!tpu.dma_semaphore, #tpu.memory_space<semaphore_mem>>
      %dma_start3A_602 = arith.constant 256 : i32
      %dma_start3A_603 = tpu.memref_slice %arg11[%dma_start3A_602] : memref<512xf32, #tpu.memory_space<vmem>> -> memref<128xf32, #tpu.memory_space<vmem>>
      %dma_start3A_604 = arith.constant 0 : i32
      %dma_start3A_605 = tpu.memref_slice %arg6[%run_scoped3A_556, %dma_start3A_604] : memref<4x128xi32, #tpu.memory_space<vmem>> -> memref<1x128xi32, #tpu.memory_space<vmem>>
      %dma_start3A_606 = tpu.memref_squeeze %dma_start3A_605 : memref<1x128xi32, #tpu.memory_space<vmem>> -> memref<128xi32, #tpu.memory_space<vmem>>
      %dma_start3A_607 = arith.constant 0 : i32
      %dma_start3A_608 = tpu.memref_slice %arg13[%dma_start3A_607] : memref<100096xf32, #tpu.memory_space<vmem_shared>> -> memref<100096xf32, #tpu.memory_space<vmem_shared>>
      tpu.enqueue_indirect_dma source(%dma_start3A_608 : memref<100096xf32, #tpu.memory_space<vmem_shared>>) target(%dma_start3A_603 : memref<128xf32, #tpu.memory_space<vmem>>) offsets(%dma_start3A_606 : memref<128xi32, #tpu.memory_space<vmem>>) semaphore(%run_scoped3A_601 : memref<!tpu.dma_semaphore, #tpu.memory_space<semaphore_mem>>)
      %dma_wait3A_609 = arith.constant 256 : i32
      %dma_wait3A_610 = tpu.memref_slice %arg11[%dma_wait3A_609] : memref<512xf32, #tpu.memory_space<vmem>> -> memref<128xf32, #tpu.memory_space<vmem>>
      %dma_wait3A_611 = arith.constant 0 : i32
      %dma_wait3A_612 = tpu.memref_slice %arg6[%run_scoped3A_556, %dma_wait3A_611] : memref<4x128xi32, #tpu.memory_space<vmem>> -> memref<1x128xi32, #tpu.memory_space<vmem>>
      %dma_wait3A_613 = tpu.memref_squeeze %dma_wait3A_612 : memref<1x128xi32, #tpu.memory_space<vmem>> -> memref<128xi32, #tpu.memory_space<vmem>>
      %dma_wait3A_614 = arith.constant 0 : i32
      %dma_wait3A_615 = tpu.memref_slice %arg13[%dma_wait3A_614] : memref<100096xf32, #tpu.memory_space<vmem_shared>> -> memref<100096xf32, #tpu.memory_space<vmem_shared>>
      tpu.wait_indirect_dma semaphore(%run_scoped3A_601 : memref<!tpu.dma_semaphore, #tpu.memory_space<semaphore_mem>>) src(%dma_wait3A_615 : memref<100096xf32, #tpu.memory_space<vmem_shared>>) dst(%dma_wait3A_610 : memref<128xf32, #tpu.memory_space<vmem>>)
      tpu.yield
    }) : () -> ()
    %run_scoped3A_557 = arith.constant 3 : i32
    "tpu.region"() ({
      %run_scoped3A_601 = tpu.sem_alloc : memref<!tpu.dma_semaphore, #tpu.memory_space<semaphore_mem>>
      %dma_start3A_602 = arith.constant 384 : i32
      %dma_start3A_603 = tpu.memref_slice %arg11[%dma_start3A_602] : memref<512xf32, #tpu.memory_space<vmem>> -> memref<128xf32, #tpu.memory_space<vmem>>
      %dma_start3A_604 = arith.constant 0 : i32
      %dma_start3A_605 = tpu.memref_slice %arg6[%run_scoped3A_557, %dma_start3A_604] : memref<4x128xi32, #tpu.memory_space<vmem>> -> memref<1x128xi32, #tpu.memory_space<vmem>>
      %dma_start3A_606 = tpu.memref_squeeze %dma_start3A_605 : memref<1x128xi32, #tpu.memory_space<vmem>> -> memref<128xi32, #tpu.memory_space<vmem>>
      %dma_start3A_607 = arith.constant 0 : i32
      %dma_start3A_608 = tpu.memref_slice %arg13[%dma_start3A_607] : memref<100096xf32, #tpu.memory_space<vmem_shared>> -> memref<100096xf32, #tpu.memory_space<vmem_shared>>
      tpu.enqueue_indirect_dma source(%dma_start3A_608 : memref<100096xf32, #tpu.memory_space<vmem_shared>>) target(%dma_start3A_603 : memref<128xf32, #tpu.memory_space<vmem>>) offsets(%dma_start3A_606 : memref<128xi32, #tpu.memory_space<vmem>>) semaphore(%run_scoped3A_601 : memref<!tpu.dma_semaphore, #tpu.memory_space<semaphore_mem>>)
      %dma_wait3A_609 = arith.constant 384 : i32
      %dma_wait3A_610 = tpu.memref_slice %arg11[%dma_wait3A_609] : memref<512xf32, #tpu.memory_space<vmem>> -> memref<128xf32, #tpu.memory_space<vmem>>
      %dma_wait3A_611 = arith.constant 0 : i32
      %dma_wait3A_612 = tpu.memref_slice %arg6[%run_scoped3A_557, %dma_wait3A_611] : memref<4x128xi32, #tpu.memory_space<vmem>> -> memref<1x128xi32, #tpu.memory_space<vmem>>
      %dma_wait3A_613 = tpu.memref_squeeze %dma_wait3A_612 : memref<1x128xi32, #tpu.memory_space<vmem>> -> memref<128xi32, #tpu.memory_space<vmem>>
      %dma_wait3A_614 = arith.constant 0 : i32
      %dma_wait3A_615 = tpu.memref_slice %arg13[%dma_wait3A_614] : memref<100096xf32, #tpu.memory_space<vmem_shared>> -> memref<100096xf32, #tpu.memory_space<vmem_shared>>
      tpu.wait_indirect_dma semaphore(%run_scoped3A_601 : memref<!tpu.dma_semaphore, #tpu.memory_space<semaphore_mem>>) src(%dma_wait3A_615 : memref<100096xf32, #tpu.memory_space<vmem_shared>>) dst(%dma_wait3A_610 : memref<128xf32, #tpu.memory_space<vmem>>)
      tpu.yield
    }) : () -> ()
    %mul3A_558 = arith.constant 512 : i32
    %mul3A_559 = arith.muli %add3A, %mul3A_558 : i32
    "tpu.region"() ({
      %run_scoped3A_601 = tpu.sem_alloc : memref<!tpu.dma_semaphore, #tpu.memory_space<semaphore_mem>>
      %dma_start3A_602 = tpu.memref_slice %arg5[%mul3A_559] : memref<16384xf32, #tpu.memory_space<hbm>> -> memref<512xf32, #tpu.memory_space<hbm>>
      %dma_start3A_603 = tpu.memref_slice %arg5[%mul3A_559] : memref<16384xf32, #tpu.memory_space<hbm>> -> memref<512xf32, #tpu.memory_space<hbm>>
      tpu.enqueue_dma source(%arg11 : memref<512xf32, #tpu.memory_space<vmem>>) target(%dma_start3A_603 : memref<512xf32, #tpu.memory_space<hbm>>) target_semaphore(%run_scoped3A_601 : memref<!tpu.dma_semaphore, #tpu.memory_space<semaphore_mem>>)
      %dma_wait3A_604 = tpu.memref_slice %arg5[%mul3A_559] : memref<16384xf32, #tpu.memory_space<hbm>> -> memref<512xf32, #tpu.memory_space<hbm>>
      %dma_wait3A_605 = tpu.memref_slice %arg5[%mul3A_559] : memref<16384xf32, #tpu.memory_space<hbm>> -> memref<512xf32, #tpu.memory_space<hbm>>
      tpu.wait_dma2 semaphore(%run_scoped3A_601 : memref<!tpu.dma_semaphore, #tpu.memory_space<semaphore_mem>>) src(%arg11 : memref<512xf32, #tpu.memory_space<vmem>>) dst(%dma_wait3A_605 : memref<512xf32, #tpu.memory_space<hbm>>)
      tpu.yield
    }) : () -> ()
    %dma_wait3A = arith.constant 0 : i32
    %dma_wait3A_560 = arith.constant 0 : i32
    %dma_wait3A_561 = arith.constant 0 : i32
    %dma_wait3A_562 = tpu.memref_slice %arg12[%dma_wait3A_560, %dma_wait3A_561] : memref<512x128xf32, #tpu.memory_space<vmem>> -> memref<128x128xf32, #tpu.memory_space<vmem>>
    %dma_wait3A_563 = arith.constant 0 : i32
    %dma_wait3A_564 = tpu.memref_slice %arg7[%dma_wait3A, %dma_wait3A_563] : memref<4x128xi32, #tpu.memory_space<vmem>> -> memref<1x128xi32, #tpu.memory_space<vmem>>
    %dma_wait3A_565 = tpu.memref_squeeze %dma_wait3A_564 : memref<1x128xi32, #tpu.memory_space<vmem>> -> memref<128xi32, #tpu.memory_space<vmem>>
    %dma_wait3A_566 = arith.constant 0 : i32
    %dma_wait3A_567 = arith.constant 0 : i32
    %dma_wait3A_568 = tpu.memref_slice %arg3[%dma_wait3A_566, %dma_wait3A_567] : memref<53248x128xf32, #tpu.memory_space<hbm>> -> memref<53248x128xf32, #tpu.memory_space<hbm>>
    tpu.wait_indirect_dma semaphore(%arg14 : memref<!tpu.dma_semaphore, #tpu.memory_space<semaphore_mem>>) src(%dma_wait3A_568 : memref<53248x128xf32, #tpu.memory_space<hbm>>) dst(%dma_wait3A_562 : memref<128x128xf32, #tpu.memory_space<vmem>>)
    %dma_wait3A_569 = arith.constant 1 : i32
    %dma_wait3A_570 = arith.constant 128 : i32
    %dma_wait3A_571 = arith.constant 0 : i32
    %dma_wait3A_572 = tpu.memref_slice %arg12[%dma_wait3A_570, %dma_wait3A_571] : memref<512x128xf32, #tpu.memory_space<vmem>> -> memref<128x128xf32, #tpu.memory_space<vmem>>
    %dma_wait3A_573 = arith.constant 0 : i32
    %dma_wait3A_574 = tpu.memref_slice %arg7[%dma_wait3A_569, %dma_wait3A_573] : memref<4x128xi32, #tpu.memory_space<vmem>> -> memref<1x128xi32, #tpu.memory_space<vmem>>
    %dma_wait3A_575 = tpu.memref_squeeze %dma_wait3A_574 : memref<1x128xi32, #tpu.memory_space<vmem>> -> memref<128xi32, #tpu.memory_space<vmem>>
    %dma_wait3A_576 = arith.constant 0 : i32
    %dma_wait3A_577 = arith.constant 0 : i32
    %dma_wait3A_578 = tpu.memref_slice %arg3[%dma_wait3A_576, %dma_wait3A_577] : memref<53248x128xf32, #tpu.memory_space<hbm>> -> memref<53248x128xf32, #tpu.memory_space<hbm>>
    tpu.wait_indirect_dma semaphore(%arg14 : memref<!tpu.dma_semaphore, #tpu.memory_space<semaphore_mem>>) src(%dma_wait3A_578 : memref<53248x128xf32, #tpu.memory_space<hbm>>) dst(%dma_wait3A_572 : memref<128x128xf32, #tpu.memory_space<vmem>>)
    %dma_wait3A_579 = arith.constant 2 : i32
    %dma_wait3A_580 = arith.constant 256 : i32
    %dma_wait3A_581 = arith.constant 0 : i32
    %dma_wait3A_582 = tpu.memref_slice %arg12[%dma_wait3A_580, %dma_wait3A_581] : memref<512x128xf32, #tpu.memory_space<vmem>> -> memref<128x128xf32, #tpu.memory_space<vmem>>
    %dma_wait3A_583 = arith.constant 0 : i32
    %dma_wait3A_584 = tpu.memref_slice %arg7[%dma_wait3A_579, %dma_wait3A_583] : memref<4x128xi32, #tpu.memory_space<vmem>> -> memref<1x128xi32, #tpu.memory_space<vmem>>
    %dma_wait3A_585 = tpu.memref_squeeze %dma_wait3A_584 : memref<1x128xi32, #tpu.memory_space<vmem>> -> memref<128xi32, #tpu.memory_space<vmem>>
    %dma_wait3A_586 = arith.constant 0 : i32
    %dma_wait3A_587 = arith.constant 0 : i32
    %dma_wait3A_588 = tpu.memref_slice %arg3[%dma_wait3A_586, %dma_wait3A_587] : memref<53248x128xf32, #tpu.memory_space<hbm>> -> memref<53248x128xf32, #tpu.memory_space<hbm>>
    tpu.wait_indirect_dma semaphore(%arg14 : memref<!tpu.dma_semaphore, #tpu.memory_space<semaphore_mem>>) src(%dma_wait3A_588 : memref<53248x128xf32, #tpu.memory_space<hbm>>) dst(%dma_wait3A_582 : memref<128x128xf32, #tpu.memory_space<vmem>>)
    %dma_wait3A_589 = arith.constant 3 : i32
    %dma_wait3A_590 = arith.constant 384 : i32
    %dma_wait3A_591 = arith.constant 0 : i32
    %dma_wait3A_592 = tpu.memref_slice %arg12[%dma_wait3A_590, %dma_wait3A_591] : memref<512x128xf32, #tpu.memory_space<vmem>> -> memref<128x128xf32, #tpu.memory_space<vmem>>
    %dma_wait3A_593 = arith.constant 0 : i32
    %dma_wait3A_594 = tpu.memref_slice %arg7[%dma_wait3A_589, %dma_wait3A_593] : memref<4x128xi32, #tpu.memory_space<vmem>> -> memref<1x128xi32, #tpu.memory_space<vmem>>
    %dma_wait3A_595 = tpu.memref_squeeze %dma_wait3A_594 : memref<1x128xi32, #tpu.memory_space<vmem>> -> memref<128xi32, #tpu.memory_space<vmem>>
    %dma_wait3A_596 = arith.constant 0 : i32
    %dma_wait3A_597 = arith.constant 0 : i32
    %dma_wait3A_598 = tpu.memref_slice %arg3[%dma_wait3A_596, %dma_wait3A_597] : memref<53248x128xf32, #tpu.memory_space<hbm>> -> memref<53248x128xf32, #tpu.memory_space<hbm>>
    tpu.wait_indirect_dma semaphore(%arg14 : memref<!tpu.dma_semaphore, #tpu.memory_space<semaphore_mem>>) src(%dma_wait3A_598 : memref<53248x128xf32, #tpu.memory_space<hbm>>) dst(%dma_wait3A_592 : memref<128x128xf32, #tpu.memory_space<vmem>>)
    %mul3A_599 = arith.constant 512 : i32
    %mul3A_600 = arith.muli %add3A, %mul3A_599 : i32
    "tpu.region"() ({
      %run_scoped3A_601 = tpu.sem_alloc : memref<!tpu.dma_semaphore, #tpu.memory_space<semaphore_mem>>
      %dma_start3A_602 = arith.constant 0 : i32
      %dma_start3A_603 = tpu.memref_slice %arg4[%mul3A_600, %dma_start3A_602] : memref<16384x128xf32, #tpu.memory_space<hbm>> -> memref<512x128xf32, #tpu.memory_space<hbm>>
      %dma_start3A_604 = arith.constant 0 : i32
      %dma_start3A_605 = tpu.memref_slice %arg4[%mul3A_600, %dma_start3A_604] : memref<16384x128xf32, #tpu.memory_space<hbm>> -> memref<512x128xf32, #tpu.memory_space<hbm>>
      tpu.enqueue_dma source(%arg12 : memref<512x128xf32, #tpu.memory_space<vmem>>) target(%dma_start3A_605 : memref<512x128xf32, #tpu.memory_space<hbm>>) target_semaphore(%run_scoped3A_601 : memref<!tpu.dma_semaphore, #tpu.memory_space<semaphore_mem>>)
      %dma_wait3A_606 = arith.constant 0 : i32
      %dma_wait3A_607 = tpu.memref_slice %arg4[%mul3A_600, %dma_wait3A_606] : memref<16384x128xf32, #tpu.memory_space<hbm>> -> memref<512x128xf32, #tpu.memory_space<hbm>>
      %dma_wait3A_608 = arith.constant 0 : i32
      %dma_wait3A_609 = tpu.memref_slice %arg4[%mul3A_600, %dma_wait3A_608] : memref<16384x128xf32, #tpu.memory_space<hbm>> -> memref<512x128xf32, #tpu.memory_space<hbm>>
      tpu.wait_dma2 semaphore(%run_scoped3A_601 : memref<!tpu.dma_semaphore, #tpu.memory_space<semaphore_mem>>) src(%arg12 : memref<512x128xf32, #tpu.memory_space<vmem>>) dst(%dma_wait3A_609 : memref<512x128xf32, #tpu.memory_space<hbm>>)
      tpu.yield
    }) : () -> ()
    return
  }
}

module attributes {stable_mosaic.version = 14 : i64} {
  func.func @_tc_body(%arg0: i32, %arg1: memref<64x2048xf32, #tpu.memory_space<vmem>>, %arg2: memref<2048x128xf32, #tpu.memory_space<vmem>>, %arg3: memref<2048xi32, #tpu.memory_space<vmem>>, %arg4: memref<2048xf32, #tpu.memory_space<vmem>>, %arg5: memref<1x1xf32, #tpu.memory_space<vmem>>) attributes {dimension_semantics = [#tpu.dimension_semantics<arbitrary>], iteration_bounds = array<i64: 8>, scalar_prefetch = 0 : i64, scratch_operands = 0 : i64, tpu.core_type = #tpu.core_type<tc>, window_params = [{transform_indices = @transform_0, window_bounds = array<i64: 64, 2048>}, {transform_indices = @transform_1, window_bounds = array<i64: 2048, 128>}, {transform_indices = @transform_2, window_bounds = array<i64: 2048>}, {transform_indices = @transform_3, window_bounds = array<i64: 2048>}, {pipeline_mode = #tpu.pipeline_mode<synchronous>, transform_indices = @transform_4, window_bounds = array<i64: 1, 1>}]} {
    %get3A = arith.constant 0 : index
    %get3A_0 = arith.constant 0 : index
    %get3A_1 = vector.load %arg1[%get3A, %get3A_0] : memref<64x2048xf32, #tpu.memory_space<vmem>>, vector<64x2048xf32>
    %get3A_2 = arith.constant 0 : index
    %get3A_3 = arith.constant 0 : index
    %get3A_4 = vector.load %arg2[%get3A_2, %get3A_3] : memref<2048x128xf32, #tpu.memory_space<vmem>>, vector<2048x128xf32>
    %iota3A = tpu.iota {dimensions = array<i32: 0>} : vector<128x128xi32>
    %iota3A_5 = tpu.iota {dimensions = array<i32: 1>} : vector<128x128xi32>
    %add3A = arith.constant 0 : i32
    %add3A_6 = vector.broadcast %add3A : i32 to vector<128x128xi32>
    %add3A_7 = arith.addi %iota3A, %add3A_6 : vector<128x128xi32>
    %eq3A = arith.cmpi eq, %add3A_7, %iota3A_5 : vector<128x128xi32>
    %convert_element_type3A = arith.extui %eq3A : vector<128x128xi1> to vector<128x128xi32>
    %convert_element_type3A_8 = arith.sitofp %convert_element_type3A : vector<128x128xi32> to vector<128x128xf32>
    %dot_general3A = arith.constant dense<0.000000e+00> : vector<128x2048xf32>
    %dot_general3A_9 = tpu.matmul %convert_element_type3A_8, %get3A_4, %dot_general3A {dimension_numbers = #tpu.dot_dimension_numbers<[1], [1], [0], [0], [0, 0, 1, 0], [], []>, transpose_lhs_hint = false} : vector<128x128xf32>, vector<2048x128xf32>, vector<128x2048xf32> -> vector<128x2048xf32>
    %slice3A = vector.extract_strided_slice %dot_general3A_9 {offsets = [0, 0], sizes = [64, 2048], strides = [1, 1]} : vector<128x2048xf32> to vector<64x2048xf32>
    %sub3A = arith.subf %get3A_1, %slice3A : vector<64x2048xf32>
    %slice3A_10 = vector.extract_strided_slice %dot_general3A_9 {offsets = [64, 0], sizes = [64, 2048], strides = [1, 1]} : vector<128x2048xf32> to vector<64x2048xf32>
    %sub3A_11 = arith.subf %get3A_1, %slice3A_10 : vector<64x2048xf32>
    %mul3A = arith.mulf %sub3A, %sub3A : vector<64x2048xf32>
    %reduce_sum3A = arith.constant dense<0.000000e+00> : vector<2048xf32>
    %reduce_sum3A_12 = vector.multi_reduction <add>, %mul3A, %reduce_sum3A [0] : vector<64x2048xf32> to vector<2048xf32>
    %mul3A_13 = arith.mulf %sub3A_11, %sub3A_11 : vector<64x2048xf32>
    %reduce_sum3A_14 = arith.constant dense<0.000000e+00> : vector<2048xf32>
    %reduce_sum3A_15 = vector.multi_reduction <add>, %mul3A_13, %reduce_sum3A_14 [0] : vector<64x2048xf32> to vector<2048xf32>
    %get3A_16 = arith.constant 0 : index
    %get3A_17 = vector.load %arg3[%get3A_16] : memref<2048xi32, #tpu.memory_space<vmem>>, vector<2048xi32>
    %ge3A = arith.constant 53248 : i32
    %ge3A_18 = vector.broadcast %ge3A : i32 to vector<2048xi32>
    %ge3A_19 = arith.cmpi sge, %get3A_17, %ge3A_18 : vector<2048xi32>
    %select_n3A = arith.select %ge3A_19, %reduce_sum3A_15, %reduce_sum3A_12 : vector<2048xi1>, vector<2048xf32>
    %sqrt3A = math.sqrt %select_n3A : vector<2048xf32>
    %get3A_20 = arith.constant 0 : index
    %get3A_21 = vector.load %arg4[%get3A_20] : memref<2048xf32, #tpu.memory_space<vmem>>, vector<2048xf32>
    %div3A = arith.divf %sqrt3A, %get3A_21 : vector<2048xf32>
    %reduce_sum3A_22 = vector.shape_cast %div3A : vector<2048xf32> to vector<1x2048xf32>
    %reduce_sum3A_23 = arith.constant dense<0.000000e+00> : vector<1xf32>
    %reduce_sum3A_24 = vector.multi_reduction <add>, %reduce_sum3A_22, %reduce_sum3A_23 [1] : vector<1x2048xf32> to vector<1xf32>
    %reduce_sum3A_25 = vector.shape_cast %reduce_sum3A_24 : vector<1xf32> to vector<1x1xf32>
    %reduce_sum3A_26 = vector.extract %reduce_sum3A_25[0, 0] : f32 from vector<1x1xf32>
    %reshape3A = vector.broadcast %reduce_sum3A_26 : f32 to vector<1x1xf32>
    %eq3A_27 = arith.constant 0 : i32
    %eq3A_28 = arith.cmpi eq, %arg0, %eq3A_27 : i32
    %convert_element_type3A_29 = arith.extui %eq3A_28 : i1 to i32
    %cond3A = arith.constant 0 : i32
    %cond3A_30 = arith.cmpi ne, %convert_element_type3A_29, %cond3A : i32
    scf.if %cond3A_30 {
      %broadcast_in_dim3A = arith.constant 0.000000e+00 : f32
      %broadcast_in_dim3A_37 = vector.broadcast %broadcast_in_dim3A : f32 to vector<1x1xf32>
      %swap3A_38 = arith.constant 0 : index
      %swap3A_39 = arith.constant 0 : index
      %swap3A_40 = vector.load %arg5[%swap3A_38, %swap3A_39] : memref<1x1xf32, #tpu.memory_space<vmem>>, vector<1x1xf32>
      tpu.vector_store %arg5[%swap3A_38, %swap3A_39], %broadcast_in_dim3A_37 {strides = array<i32>} : memref<1x1xf32, #tpu.memory_space<vmem>>, vector<1x1xf32>,
    } else {
    }
    %get3A_31 = arith.constant 0 : index
    %get3A_32 = arith.constant 0 : index
    %get3A_33 = vector.load %arg5[%get3A_31, %get3A_32] : memref<1x1xf32, #tpu.memory_space<vmem>>, vector<1x1xf32>
    %add3A_34 = arith.addf %get3A_33, %reshape3A : vector<1x1xf32>
    %swap3A = arith.constant 0 : index
    %swap3A_35 = arith.constant 0 : index
    %swap3A_36 = vector.load %arg5[%swap3A, %swap3A_35] : memref<1x1xf32, #tpu.memory_space<vmem>>, vector<1x1xf32>
    tpu.vector_store %arg5[%swap3A, %swap3A_35], %add3A_34 {strides = array<i32>} : memref<1x1xf32, #tpu.memory_space<vmem>>, vector<1x1xf32>,
    return
  }
  func.func @transform_0(%arg0: i32) -> (i32, i32) {
    %c0_i32 = arith.constant 0 : i32
    %c0_i32_0 = arith.constant 0 : i32
    return %c0_i32, %arg0 : i32, i32
  }
  func.func @transform_1(%arg0: i32) -> (i32, i32) {
    %c0_i32 = arith.constant 0 : i32
    %c0_i32_0 = arith.constant 0 : i32
    return %arg0, %c0_i32 : i32, i32
  }
  func.func @transform_2(%arg0: i32) -> i32 {
    %c0_i32 = arith.constant 0 : i32
    return %arg0 : i32
  }
  func.func @transform_3(%arg0: i32) -> i32 {
    %c0_i32 = arith.constant 0 : i32
    return %arg0 : i32
  }
  func.func @transform_4(%arg0: i32) -> (i32, i32) {
    %c0_i32 = arith.constant 0 : i32
    %c0_i32_0 = arith.constant 0 : i32
    %c0_i32_1 = arith.constant 0 : i32
    return %c0_i32, %c0_i32_0 : i32, i32
  }
}

module attributes {stable_mosaic.version = 14 : i64} {
  func.func @_pack_body(%arg0: i32, %arg1: memref<64x2048xf32, #tpu.memory_space<vmem>>, %arg2: memref<64x2048xf32, #tpu.memory_space<vmem>>, %arg3: memref<2048x128xf32, #tpu.memory_space<vmem>>) attributes {dimension_semantics = [#tpu.dimension_semantics<arbitrary>], iteration_bounds = array<i64: 26>, scalar_prefetch = 0 : i64, scratch_operands = 0 : i64, tpu.core_type = #tpu.core_type<tc>, window_params = [{transform_indices = @transform_0, window_bounds = array<i64: 64, 2048>}, {transform_indices = @transform_1, window_bounds = array<i64: 64, 2048>}, {transform_indices = @transform_2, window_bounds = array<i64: 2048, 128>}]} {
    %iota3A = tpu.iota {dimensions = array<i32: 0>} : vector<64x64xi32>
    %iota3A_0 = tpu.iota {dimensions = array<i32: 1>} : vector<64x64xi32>
    %add3A = arith.constant 0 : i32
    %add3A_1 = vector.broadcast %add3A : i32 to vector<64x64xi32>
    %add3A_2 = arith.addi %iota3A, %add3A_1 : vector<64x64xi32>
    %eq3A = arith.cmpi eq, %add3A_2, %iota3A_0 : vector<64x64xi32>
    %convert_element_type3A = arith.extui %eq3A : vector<64x64xi1> to vector<64x64xi32>
    %convert_element_type3A_3 = arith.sitofp %convert_element_type3A : vector<64x64xi32> to vector<64x64xf32>
    %get3A = arith.constant 0 : index
    %get3A_4 = arith.constant 0 : index
    %get3A_5 = vector.load %arg1[%get3A, %get3A_4] : memref<64x2048xf32, #tpu.memory_space<vmem>>, vector<64x2048xf32>
    %dot_general3A = arith.constant dense<0.000000e+00> : vector<2048x64xf32>
    %dot_general3A_6 = tpu.matmul %get3A_5, %convert_element_type3A_3, %dot_general3A {dimension_numbers = #tpu.dot_dimension_numbers<[0], [0], [1], [1], [0, 1, 1, 1], [], []>, transpose_lhs_hint = false} : vector<64x2048xf32>, vector<64x64xf32>, vector<2048x64xf32> -> vector<2048x64xf32>
    %get3A_7 = arith.constant 0 : index
    %get3A_8 = arith.constant 0 : index
    %get3A_9 = vector.load %arg2[%get3A_7, %get3A_8] : memref<64x2048xf32, #tpu.memory_space<vmem>>, vector<64x2048xf32>
    %dot_general3A_10 = arith.constant dense<0.000000e+00> : vector<2048x64xf32>
    %dot_general3A_11 = tpu.matmul %get3A_9, %convert_element_type3A_3, %dot_general3A_10 {dimension_numbers = #tpu.dot_dimension_numbers<[0], [0], [1], [1], [0, 1, 1, 1], [], []>, transpose_lhs_hint = false} : vector<64x2048xf32>, vector<64x64xf32>, vector<2048x64xf32> -> vector<2048x64xf32>
    %swap3A = arith.constant 0 : index
    %swap3A_12 = arith.constant 0 : index
    %swap3A_13 = vector.load %arg3[%swap3A, %swap3A_12] : memref<2048x128xf32, #tpu.memory_space<vmem>>, vector<2048x64xf32>
    tpu.vector_store %arg3[%swap3A, %swap3A_12], %dot_general3A_6 {strides = array<i32>} : memref<2048x128xf32, #tpu.memory_space<vmem>>, vector<2048x64xf32>,
    %swap3A_14 = arith.constant 0 : index
    %swap3A_15 = arith.constant 64 : index
    %swap3A_16 = vector.load %arg3[%swap3A_14, %swap3A_15] : memref<2048x128xf32, #tpu.memory_space<vmem>>, vector<2048x64xf32>
    tpu.vector_store %arg3[%swap3A_14, %swap3A_15], %dot_general3A_11 {strides = array<i32>} : memref<2048x128xf32, #tpu.memory_space<vmem>>, vector<2048x64xf32>,
    return
  }
  func.func @transform_0(%arg0: i32) -> (i32, i32) {
    %c0_i32 = arith.constant 0 : i32
    %c0_i32_0 = arith.constant 0 : i32
    return %c0_i32, %arg0 : i32, i32
  }
  func.func @transform_1(%arg0: i32) -> (i32, i32) {
    %add3A = arith.constant 23 : i32
    %add3A_0 = arith.addi %add3A, %arg0 : i32
    %c0_i32 = arith.constant 0 : i32
    %c0_i32_1 = arith.constant 0 : i32
    return %c0_i32, %add3A_0 : i32, i32
  }
  func.func @transform_2(%arg0: i32) -> (i32, i32) {
    %c0_i32 = arith.constant 0 : i32
    %c0_i32_0 = arith.constant 0 : i32
    return %arg0, %c0_i32 : i32, i32
  }
}

</mosaic_0001>

<sc_bundles>
// kernel: kernel.5.cloned.1.call-start
scs
__scs_entry_jumppad:
0x0: {  	(pc) =	sbr.rel $0x88, $3  }
0x1: {  	(tag) =	ssettag $0x0;
	lr =	simm.s32 $0x1  }
0x2: {  	[smem:$0x3F9E] =	sst lr;
	_ =	strace $0xD0000000  }
0x3: {  	_ = 	snop  }
0x4: {  	_ = 	snop  }
0x5: {  	_ = 	snop  }
0x6: {  	_ = 	snop  }
0x7: {  	_ = 	snop  }
__scs_overlays_trampoline_lowered:
0x8: {  	[smem:$0x3FAD] =	sst s0  }
0x9: {  	[smem:$0x3FAE] =	sst s1  }
0xa: {  	[smem:$0x3FAF] =	sst s2  }
0xb: {  	[smem:$0x3FB0] =	sst s3  }
0xc: {  	[smem:$0x3FB1] =	sst s4  }
0xd: {  	[smem:$0x3FB2] =	sst s5  }
0xe: {  	[smem:$0x3FB3] =	sst s6  }
0xf: {  	[smem:$0x3FB4] =	sst s7  }
0x10: {  	[smem:$0x3FB5] =	sst s8  }
0x11: {  	[smem:$0x3FB6] =	sst s9;
	s0 =	simm.s32 @!p0 $0x0  }
0x12: {  	s1 =	sld [smem:$0x3F9C];
	s0 =	simm.s32 @p0 $0x1  }
0x13: {  	[smem:$0x3FB7] =	sst s0;
	s0 =	simm.s32 @!p1 $0x0  }
0x14: {  	s2 =	sld [smem:$0x3F9B];
	s0 =	simm.s32 @p1 $0x1  }
0x15: {  	[smem:$0x3FB8] =	sst s0;
	s0 =	simm.s32 @!p2 $0x0  }
0x16: {  	s3 =	sld [smem:$0x3FDB];
	s0 =	simm.s32 @p2 $0x1  }
0x17: {  	s4 =	simm.s32 $0x1BF5;
	[smem:$0x3FBA] =	sst s0  }
0x18: {  	s0 =	sld [smem:$0x3F9D];
	_ =	swait.ge [sflag:s4], $0x0  }
0x19: {  	s7 =	sld [smem:$0x3F9E]  }
0x1a: {  	s8 =	sadd.s32 $0xFFFFE003, lr  }
0x1b: {  	s9 =	sadd.s32 $0xFFFFFEF7, lr;
	s5 =	simm.s32 $0xFFFFFFFF;
	p2 =	slt.u32 s8, $0xFFFFF086  }
0x1c: {  	p1 =	slt.u32 s9, $0xF7A;
	s5 =	simm.s32 @!p2 $0x0  }
0x1d: {  	s5 =	simm.s32 @p1 $0x1;
	p0 =	seq.s32 s7, s2  }
0x1e: {  	s7 =	smul.u32 @!p0 $0xF7A, s2;
	p2 =	seq.s32 @!p0 s5, $0x0  }
0x1f: {  	s9 =	smul.u32 $0xF7A, s1;
	s8 =	simm.s32 @!p0 $0x1BF5;
	p2 =	por !p2, p0  }
0x20: {  	[sflag:s8] =	ssyncset.s32 @!p0 $0xFFFFF086;
	s6 =	sadd.s32 @!p0 s3, s7;
	s7 =	simm.s32 @!p0 $0x108  }
0x21: {  	s3 =	sadd.s32 s3, s9;
	s6 =	sadd.s32 @!p0 $0x88, s6;
	s7 =	simm.s32 @p2 $0x1082  }
0x22: {  	[simem:s7], [sflag:s8] =	dma.local @!p0 [hbm:s6], $0xF7A  }
0x23: {  	s9 =	sor.u32 $0xD0000000, s2;
	s6 =	simm.s32 $0x108;
	_ =	swait.ge @!p0 [sflag:s8], $0x0  }
0x24: {  	s3 =	sadd.s32 $0x88, s3;
	s6 =	simm.s32 @!p1 $0x1082;
	[sflag:s4] =	ssyncset.s32 $0xFFFFF086  }
0x25: {  	[simem:s6], [sflag:s4] =	dma.local [hbm:s3], $0xF7A  }
0x26: {  	[smem:$0x3F9E] =	sst s1;
	(tag) =	ssettag s2;
	_ =	strace s9  }
0x27: {  	s1 =	sld [smem:$0x3FAE]  }
0x28: {  	s2 =	sld [smem:$0x3FAF]  }
0x29: {  	s4 =	sld [smem:$0x3FB1]  }
0x2a: {  	p0 =	seq.s32 s5, $0x0;
	s5 =	sld [smem:$0x3FB2]  }
0x2b: {  	s6 =	sld [smem:$0x3FB3]  }
0x2c: {  	s7 =	sld [smem:$0x3FB4]  }
0x2d: {  	s3 =	simm.s32 $0x108;
	s8 =	sld [smem:$0x3FB5]  }
0x2e: {  	s3 =	simm.s32 @!p0 $0x1082;
	s9 =	sld [smem:$0x3FB6]  }
0x2f: {  	lr =	sadd.s32 s0, s3;
	s0 =	sld [smem:$0x3FAD]  }
0x30: {  	s3 =	sld [smem:$0x3FB0]  }
0x31: {  	[smem:$0x3FB9] =	sst s10  }
0x32: {  	s10 =	sld [smem:$0x3FB7];
	_ =	sdelay $0x3  }
0x33: {  	p0 =	seq.s32 s10, $0x1;
	s10 =	sld [smem:$0x3FB9];
	_ =	sdelay $0x3  }
0x34: {  	[smem:$0x3FB9] =	sst s10  }
0x35: {  	s10 =	sld [smem:$0x3FB8];
	_ =	sdelay $0x3  }
0x36: {  	p1 =	seq.s32 s10, $0x1;
	s10 =	sld [smem:$0x3FB9];
	_ =	sdelay $0x3  }
0x37: {  	[smem:$0x3FB9] =	sst s10  }
0x38: {  	s10 =	sld [smem:$0x3FBA]  }
0x39: {  	_ = 	snop;
	(pc) =	sbr.ind lr, $3  }
0x3a: {  	_ = 	snop  }
0x3b: {  	_ = 	snop  }
0x3c: {  	p2 =	seq.s32 s10, $0x1;
	s10 =	sld [smem:$0x3FB9]  }
0x3d: {  	_ =	shalt  }
0x3e: {  	_ =	shalt  }
0x3f: {  	_ =	shalt  }
0x40: {  	_ =	shalt  }
0x41: {  	_ =	shalt  }
0x42: {  	_ =	shalt  }
0x43: {  	_ =	shalt  }
0x44: {  	_ =	shalt  }
0x45: {  	_ =	shalt  }
0x46: {  	_ =	shalt  }
0x47: {  	_ =	shalt  }
0x48: {  	_ =	shalt  }
0x49: {  	_ =	shalt  }
0x4a: {  	_ =	shalt  }
0x4b: {  	_ =	shalt  }
0x4c: {  	_ =	shalt  }
0x4d: {  	_ =	shalt  }
0x4e: {  	_ =	shalt  }
0x4f: {  	_ =	shalt  }
0x50: {  	_ =	shalt  }
0x51: {  	_ =	shalt  }
0x52: {  	_ =	shalt  }
0x53: {  	_ =	shalt  }
0x54: {  	_ =	shalt  }
0x55: {  	_ =	shalt  }
0x56: {  	_ =	shalt  }
0x57: {  	_ =	shalt  }
0x58: {  	_ =	shalt  }
0x59: {  	_ =	shalt  }
0x5a: {  	_ =	shalt  }
0x5b: {  	_ =	shalt  }
0x5c: {  	_ =	shalt  }
0x5d: {  	_ =	shalt  }
0x5e: {  	_ =	shalt  }
0x5f: {  	_ =	shalt  }
0x60: {  	_ =	shalt  }
0x61: {  	_ =	shalt  }
0x62: {  	_ =	shalt  }
0x63: {  	_ =	shalt  }
0x64: {  	_ =	shalt  }
0x65: {  	_ =	shalt  }
0x66: {  	_ =	shalt  }
0x67: {  	_ =	shalt  }
0x68: {  	_ =	shalt  }
0x69: {  	_ =	shalt  }
0x6a: {  	_ =	shalt  }
0x6b: {  	_ =	shalt  }
0x6c: {  	_ =	shalt  }
0x6d: {  	_ =	shalt  }
0x6e: {  	_ =	shalt  }
0x6f: {  	_ =	shalt  }
0x70: {  	_ =	shalt  }
0x71: {  	_ =	shalt  }
0x72: {  	_ =	shalt  }
0x73: {  	_ =	shalt  }
0x74: {  	_ =	shalt  }
0x75: {  	_ =	shalt  }
0x76: {  	_ =	shalt  }
0x77: {  	_ =	shalt  }
0x78: {  	_ =	shalt  }
0x79: {  	_ =	shalt  }
0x7a: {  	_ =	shalt  }
0x7b: {  	_ =	shalt  }
0x7c: {  	_ =	shalt  }
0x7d: {  	_ =	shalt  }
0x7e: {  	_ =	shalt  }
0x7f: {  	_ =	shalt  }
0x80: {  	_ =	shalt  }
0x81: {  	_ =	shalt  }
0x82: {  	_ =	shalt  }
0x83: {  	_ =	shalt  }
0x84: {  	_ =	shalt  }
0x85: {  	_ =	shalt  }
0x86: {  	_ =	shalt  }
0x87: {  	_ =	shalt  }
.Lfunc_end0:
.L_simem_size_0:
called_computation_lowered:
.L_overlay_start_0:
0x88: {  	s2 =	sld [smem:$0x3FD9]  }
0x89: {  	s3 =	sld [smem:$0x3FFE];
	_ =	sdelay $0x1  }
0x8a: {  	s1 =	srdreg.scid  }
0x8b: {  	s0 =	sand.u32 $0x1, s1  }
0x8c: {  	s17 =	sshll.u32 s0, $0xA;
	s2 =	sadd.s32 s3, s2  }
0x8d: {  	s2 =	sadd.s32 s2, s17  }
0x8e: {  	[smem:$0x3FC5] =	sst s2  }
0x8f: {  	_ = 	snop  }
0x90: {  	s2 =	sld [smem:$0x3FC8];
	(tm) =	ssettm $0x1  }
0x91: {  	s18 =	sld [smem:$0x3FFB];
	_ =	sdelay $0x3  }
0x92: {  	_ =	strace s18  }
0x93: {  	s3 =	sld [smem:$0x3FFC];
	_ =	sdelay $0x3  }
0x94: {  	_ =	strace s3  }
0x95: {  	s3 =	sld [smem:$0x3FFD];
	_ =	sdelay $0x3  }
0x96: {  	_ =	strace s3  }
0x97: {  	_ =	strace $0x8FFFFFFF  }
0x98: {  	s19 =	sld [smem:$0x3FDB];
	_ =	sdelay $0x1  }
0x99: {  	s4 =	simm.s32 $_scs_section_size  }
0x9a: {  	s5 =	simm.s32 $_size__tile_overlayer_lowered;
	s6 =	simm.s32 $_tile_overlayer_lowered  }
0x9b: {  	s22 =	simm.s32 $0x1BFF;
	s21 =	sshll.u32 s6, $0x1;
	s3 =	sadd.s32 s4, s19  }
0x9c: {  	s7 =	simm.s32 $0x0;
	s20 =	sshll.u32 s5, $0x1;
	s5 =	sadd.s32 s21, s3  }
0x9d: {  	[timem:s7], [sflag:s22] =	dma.local [hbm:s5], s20  }
0x9e: {  	_ =	swait.ge [sflag:s22], s20  }
0x9f: {  	s4 =	ssub.s32 $0x0, s20;
	[sflag:s22] =	ssyncset.done $0x0  }
0xa0: {  	[sflag:s22] =	ssyncadd.s32 s4;
	_ =	sdelay $0x1  }
0xa1: {  	s23 =	simm.s32 $0x1B8B  }
0xa2: {  	_ =	swait.ge [sflag:s23], $0x1  }
0xa3: {  	[sflag:s23] =	ssyncset.done $0x0  }
0xa4: {  	s25 =	simm.s32 $0x1B8E;
	s24 =	sld [smem:$0x3FFE];
	[sflag:s23] =	ssyncadd.s32 $0xFFFFFFFF  }
0xa5: {  	s26 =	simm.s32 $execute0_lowered;
	[smem:$0x3FD2] =	sst s25  }
0xa6: {  	s5 =	sshll.u32 s26, $0x1;
	_ =	strace $0x80000046;
	[dreg:$0x1] =	wrdreg $0xFFFFFFFF  }
0xa7: {  	s28 =	simm.s32 $_size_execute0_lowered;
	s3 =	sadd.s32 s3, s5;
	[dreg:$0x0] =	wrdreg $0x0  }
0xa8: {  	s5 =	sshll.u32 s28, $0x1;
	[dreg:$0x2] =	wrdreg s3  }
0xa9: {  	[dreg:$0x3] =	wrdreg s5  }
0xaa: {  	[dreg:$0x4] =	wrdreg $0xC0  }
0xab: {  	_ =	task [dreg:s7], $0x5FFFF  }
0xac: {  	[dreg:$0x1] =	wrdreg $0xFFFFFFFF  }
0xad: {  	[dreg:$0x0] =	wrdreg $0x60  }
0xae: {  	[dreg:$0x2] =	wrdreg s2  }
0xaf: {  	[dreg:$0x3] =	wrdreg s24  }
0xb0: {  	[dreg:$0x4] =	wrdreg $0x10B000  }
0xb1: {  	[dreg:$0x5] =	wrdreg $0x9  }
0xb2: {  	_ =	task.clear_ibuf [dreg:s7], $0x6FFFF;
	_ =	strace $0x90000046  }
0xb3: {  	s29 =	simm.s32 $0x9;
	_ =	strace $0x80000048  }
0xb4: {  	_ =	swait.ge [sflag:s29], $0x1  }
0xb5: {  	[sflag:s29] =	ssyncadd.s32 $0xFFFFFFFF  }
0xb6: {  	_ =	strace $0x90000048  }
0xb7: {  	_ =	sfence  }
0xb8: {  	s30 =	sld [smem:$0x0];
	_ =	sdelay $0x2  }
0xb9: {  	s31 =	sshll.u32 s1, $0xD;
	s1 =	sshrl.u32 s1, $0x2  }
0xba: {  	s3 =	sand.u32 $0x4000, s31;
	s1 =	sadd.s32 s1, s30  }
0xbb: {  	s0 =	sor.u32 s3, s0;
	s1 =	sshll.u32 s1, $0x11  }
0xbc: {  	s0 =	sor.u32 s1, s0  }
0xbd: {  	s0 =	sadd.s32 $0x8F2B, s0  }
0xbe: {  	[sflag:s0] =	ssyncadd.remote.s32 $0x1  }
0xbf: {  	_ =	sfence.sel $0xFFFF  }
0xc0: {  	[dreg:$0x0] =	wrdreg $0xFFFFFFFF;
	(pc) =	sbr.abs _section_cstart, $3  }
0xc1: {  	[dreg:$0x1] =	wrdreg $0xFFFFFFFF  }
0xc2: {  	_ =	task.clear_ibuf [dreg:s7], $0x2FFFF;
	_ =	strace $0x9FFFFFFF  }
0xc3: {  	(tm) =	ssettm $0x7FFFFFFF  }
tec
execute0_lowered:
.L_overlay_start_1:
0x0: {  	(tag) =	ssettag $0x1  }
0x1: {  	s1 =	rddreg [dreg:$0x0]  }
0x2: {  	s5 =	rddreg [dreg:$0x1]  }
0x3: {  	s3 =	srdreg.scid;
	s0 =	stileid.u32  }
0x4: {  	s2 =	rddreg [dreg:$0x2];
	s25 =	simm.s32 $0x200;
	s26 =	simm.s32 $0x280  }
0x5: {  	s28 =	simm.s32 $0x900;
	s29 =	simm.s32 $0x980;
	s30 =	simm.s32 $0xA00  }
0x6: {  	s31 =	simm.s32 $0xA80;
	s6 =	sand.u32 $0x1, s3;
	s4 =	sshll.u32 s0, $0x1  }
0x7: {  	s3 =	simm.s32 $0x0;
	s9 =	sadd.s32 $0x10, s1;
	s10 =	sadd.s32 $0x20, s1  }
0x8: {  	s7 =	sor.u32 s6, s4;
	[smem:$0x7FF] =	sst s3;
	s6 =	ssub.s32 $0x2, s6  }
0x9: {  	s8 =	sshll.u32 s7, $0x6;
	_ =	strace $0x80000047;
	[dreg:$0x11] =	wrdreg s25  }
0xa: {  	s7 =	sshll.u32 s7, $0xD;
	s23 =	sshrl.u32 s6, $0x1;
	[dreg:$0x12] =	wrdreg s26  }
0xb: {  	s25 =	simm.s32 $0x800;
	s26 =	simm.s32 $0x880;
	s11 =	sadd.s32 s1, s8  }
0xc: {  	s12 =	sadd.s32 s8, s9;
	s13 =	sadd.s32 s8, s10;
	[dreg:$0x4] =	wrdreg s11  }
0xd: {  	s7 =	sadd.s32 s7, s5;
	s6 =	ssub.s32 s6, s23;
	[dreg:$0x5] =	wrdreg s12  }
0xe: {  	s23 =	simm.s32 $0x700;
	s11 =	sadd.s32 $0x30, s1;
	[dreg:$0x6] =	wrdreg s13  }
0xf: {  	s12 =	sshll.u32 s0, $0x7;
	s24 =	sadd.s32 $0xD1000, s7;
	s6 =	smax.u32 s6, $0x1  }
0x10: {  	s7 =	simm.s32 $0x2;
	s13 =	simm.s32 $0x300;
	s14 =	sadd.s32 s8, s11  }
0x11: {  	s15 =	sadd.s32 s12, s9;
	s16 =	sadd.s32 s12, s10;
	s4 =	sadd.s32 s1, s12  }
0x12: {  	s17 =	sadd.s32 s12, s11;
	s8 =	sadd.s32 s8, s5;
	[dreg:$0x10] =	wrdreg s24  }
0x13: {  	s5 =	sadd.s32 $0x1000, s5;
	s9 =	simm.s32 $0x100;
	[dreg:$0x7] =	wrdreg s14  }
0x14: {  	s10 =	simm.s32 $0x180;
	s11 =	simm.s32 $0xB00;
	[dreg:$0x8] =	wrdreg s15  }
0x15: {  	s24 =	simm.s32 $0x780;
	s1 =	simm.s32 $0x1;
	[dreg:$0x9] =	wrdreg s16  }
0x16: {  	[dreg:$0xa] =	wrdreg s17;
	s18 =	sadd.s32 $0x40, s4;
	s19 =	sadd.s32 $0x50, s4  }
0x17: {  	s20 =	sadd.s32 $0x60, s4;
	s21 =	sadd.s32 $0x70, s4;
	[dreg:$0xb] =	wrdreg s18  }
0x18: {  	s22 =	sadd.s32 $0x111000, s8;
	s8 =	simm.s32 $0x80;
	[dreg:$0xc] =	wrdreg s19  }
0x19: {  	s14 =	simm.s32 $0x8B00;
	s15 =	simm.s32 $0x380;
	[dreg:$0xd] =	wrdreg s20  }
0x1a: {  	s16 =	simm.s32 $0xCB00;
	s17 =	simm.s32 $0x400;
	[dreg:$0xe] =	wrdreg s21  }
0x1b: {  	[dreg:$0xf] =	wrdreg s22;
	s18 =	simm.s32 $0x480;
	s19 =	simm.s32 $0x500  }
0x1c: {  	v0 =	vimm.f32 $0.0e+00;
	v1 =	vimm.f32 $1.000000000e+00;
	s20 =	simm.s32 $0x580;
	s21 =	simm.s32 $0x600;
	s22 =	simm.s32 $0x680  }
.LBB2_1:
0x1d: {  	s0 =	rddreg [dreg:$0x4]  }
0x1e: {  	[tilespmem:s3], [sflag:$0x2] =	stream.linear.gather [hbm4b:s0+s3], $0x80, $0x38;
	[tilespmem:$0x12370] =	vst v63  }
0x1f: {  	_ =	swait.ge [sflag:s7], $0x80  }
0x20: {  	[sflag:s7] =	ssyncset.done $0x0  }
0x21: {  	s12 =	rddreg [dreg:$0x5];
	[sflag:s7] =	ssyncadd.s32 $0xFFFFFF80  }
0x22: {  	[tilespmem:s8], [sflag:$0x2] =	stream.linear.gather [hbm4b:s12+s3], $0x80, $0x38;
	[tilespmem:$0x12370] =	vst v63  }
0x23: {  	_ =	swait.ge [sflag:s7], $0x80  }
0x24: {  	[sflag:s7] =	ssyncset.done $0x0  }
0x25: {  	s12 =	rddreg [dreg:$0x6];
	[sflag:s7] =	ssyncadd.s32 $0xFFFFFF80  }
0x26: {  	[tilespmem:s9], [sflag:$0x2] =	stream.linear.gather [hbm4b:s12+s3], $0x80, $0x38;
	[tilespmem:$0x12370] =	vst v63  }
0x27: {  	_ =	swait.ge [sflag:s7], $0x80  }
0x28: {  	[sflag:s7] =	ssyncset.done $0x0  }
0x29: {  	s12 =	rddreg [dreg:$0x7];
	[sflag:s7] =	ssyncadd.s32 $0xFFFFFF80  }
0x2a: {  	[tilespmem:s10], [sflag:$0x2] =	stream.linear.gather [hbm4b:s12+s3], $0x80, $0x38;
	[tilespmem:$0x12370] =	vst v63  }
0x2b: {  	_ =	swait.ge [sflag:s7], $0x80  }
0x2c: {  	[sflag:s7] =	ssyncset.done $0x0  }
0x2d: {  	[sflag:s7] =	ssyncadd.s32 $0xFFFFFF80  }
0x2e: {  	v2 =	vld [tilespmem:$0x0]  }
0x2f: {  	v3 =	vld [tilespmem:$0x10]  }
0x30: {  	v4 =	vld [tilespmem:$0x20]  }
0x31: {  	v5 =	vld [tilespmem:$0x30]  }
0x32: {  	v6 =	vld [tilespmem:$0x40]  }
0x33: {  	v8 =	vld [tilespmem:$0x50];
	vm0 =	vgt.s32 v2, $0xCFFF;
	v7 =	vadd.s32 $0xFFFF4800, v2  }
0x34: {  	v9 =	vld [tilespmem:$0x60];
	vm9 =	vgt.s32 v3, $0xCFFF;
	v38 =	vadd.s32 $0xFFFF4800, v3;
	v2 =	vsel vm0, v7, v2  }
0x35: {  	v39 =	vld [tilespmem:$0x70];
	vm10 =	vgt.s32 v4, $0xCFFF;
	[tilespmem:$0x200] =	vst v2;
	v2 =	vsel vm9, v38, v3;
	v3 =	vadd.s32 $0xFFFF4800, v4  }
0x36: {  	v40 =	vld [tilespmem:$0x80];
	vm11 =	vgt.s32 v5, $0xCFFF;
	[tilespmem:$0x210] =	vst v2;
	v2 =	vsel vm10, v3, v4;
	v3 =	vadd.s32 $0xFFFF4800, v5  }
0x37: {  	v41 =	vld [tilespmem:$0x90];
	vm12 =	vgt.s32 v6, $0xCFFF;
	[tilespmem:$0x220] =	vst v2;
	v2 =	vsel vm11, v3, v5;
	v3 =	vadd.s32 $0xFFFF4800, v6  }
0x38: {  	v42 =	vld [tilespmem:$0xA0];
	vm13 =	vgt.s32 v8, $0xCFFF;
	[tilespmem:$0x230] =	vst v2;
	v2 =	vsel vm12, v3, v6;
	v3 =	vadd.s32 $0xFFFF4800, v8  }
0x39: {  	v43 =	vld [tilespmem:$0xB0];
	vm14 =	vgt.s32 v9, $0xCFFF;
	[tilespmem:$0x240] =	vst v2;
	v2 =	vsel vm13, v3, v8;
	v3 =	vadd.s32 $0xFFFF4800, v9  }
0x3a: {  	v44 =	vld [tilespmem:$0xC0];
	vm15 =	vgt.s32 v39, $0xCFFF;
	[tilespmem:$0x250] =	vst v2;
	v2 =	vsel vm14, v3, v9;
	v3 =	vadd.s32 $0xFFFF4800, v39  }
0x3b: {  	v45 =	vld [tilespmem:$0xD0];
	vm4 =	vgt.s32 v40, $0xCFFF;
	[tilespmem:$0x260] =	vst v2;
	v2 =	vsel vm15, v3, v39;
	v3 =	vadd.s32 $0xFFFF4800, v40  }
0x3c: {  	v46 =	vld [tilespmem:$0xE0];
	vm5 =	vgt.s32 v41, $0xCFFF;
	[tilespmem:$0x270] =	vst v2;
	v2 =	vsel vm4, v3, v40;
	v3 =	vadd.s32 $0xFFFF4800, v41  }
0x3d: {  	v47 =	vld [tilespmem:$0xF0];
	vm6 =	vgt.s32 v42, $0xCFFF;
	[tilespmem:$0x280] =	vst v2;
	v2 =	vsel vm5, v3, v41;
	v3 =	vadd.s32 $0xFFFF4800, v42  }
0x3e: {  	v48 =	vld [tilespmem:$0x100];
	vm7 =	vgt.s32 v43, $0xCFFF;
	[tilespmem:$0x290] =	vst v2;
	v2 =	vsel vm6, v3, v42;
	v3 =	vadd.s32 $0xFFFF4800, v43  }
0x3f: {  	v49 =	vld [tilespmem:$0x110];
	vm8 =	vgt.s32 v44, $0xCFFF;
	[tilespmem:$0x2A0] =	vst v2;
	v2 =	vsel vm7, v3, v43;
	v3 =	vadd.s32 $0xFFFF4800, v44  }
0x40: {  	v50 =	vld [tilespmem:$0x120];
	vm9 =	vgt.s32 v45, $0xCFFF;
	[tilespmem:$0x2B0] =	vst v2;
	v2 =	vsel vm8, v3, v44;
	v3 =	vadd.s32 $0xFFFF4800, v45  }
0x41: {  	v51 =	vld [tilespmem:$0x130];
	vm10 =	vgt.s32 v46, $0xCFFF;
	[tilespmem:$0x2C0] =	vst v2;
	v2 =	vsel vm9, v3, v45;
	v3 =	vadd.s32 $0xFFFF4800, v46  }
0x42: {  	v52 =	vld [tilespmem:$0x140];
	vm11 =	vgt.s32 v47, $0xCFFF;
	[tilespmem:$0x2D0] =	vst v2;
	v2 =	vsel vm10, v3, v46;
	v3 =	vadd.s32 $0xFFFF4800, v47  }
0x43: {  	v53 =	vld [tilespmem:$0x150];
	vm12 =	vgt.s32 v48, $0xCFFF;
	[tilespmem:$0x2E0] =	vst v2;
	v2 =	vsel vm11, v3, v47;
	v3 =	vadd.s32 $0xFFFF4800, v48  }
0x44: {  	v54 =	vld [tilespmem:$0x160];
	vm13 =	vgt.s32 v49, $0xCFFF;
	[tilespmem:$0x2F0] =	vst v2;
	v2 =	vsel vm12, v3, v48;
	v3 =	vadd.s32 $0xFFFF4800, v49  }
0x45: {  	v55 =	vld [tilespmem:$0x170];
	vm14 =	vgt.s32 v50, $0xCFFF;
	[tilespmem:$0x300] =	vst v2;
	v2 =	vsel vm13, v3, v49;
	v3 =	vadd.s32 $0xFFFF4800, v50  }
0x46: {  	v56 =	vld [tilespmem:$0x180];
	vm15 =	vgt.s32 v51, $0xCFFF;
	[tilespmem:$0x310] =	vst v2;
	v2 =	vsel vm14, v3, v50;
	v3 =	vadd.s32 $0xFFFF4800, v51  }
0x47: {  	v57 =	vld [tilespmem:$0x190];
	vm4 =	vgt.s32 v52, $0xCFFF;
	[tilespmem:$0x320] =	vst v2;
	v2 =	vsel vm15, v3, v51;
	v3 =	vadd.s32 $0xFFFF4800, v52  }
0x48: {  	v58 =	vld [tilespmem:$0x1A0];
	vm5 =	vgt.s32 v53, $0xCFFF;
	[tilespmem:$0x330] =	vst v2;
	v2 =	vsel vm4, v3, v52;
	v3 =	vadd.s32 $0xFFFF4800, v53  }
0x49: {  	v59 =	vld [tilespmem:$0x1B0];
	vm6 =	vgt.s32 v54, $0xCFFF;
	[tilespmem:$0x340] =	vst v2;
	v2 =	vsel vm5, v3, v53;
	v3 =	vadd.s32 $0xFFFF4800, v54  }
0x4a: {  	v60 =	vld [tilespmem:$0x1C0];
	vm7 =	vgt.s32 v55, $0xCFFF;
	[tilespmem:$0x350] =	vst v2;
	v2 =	vsel vm6, v3, v54;
	v3 =	vadd.s32 $0xFFFF4800, v55  }
0x4b: {  	v61 =	vld [tilespmem:$0x1D0];
	vm8 =	vgt.s32 v56, $0xCFFF;
	[tilespmem:$0x360] =	vst v2;
	v2 =	vsel vm7, v3, v55;
	v3 =	vadd.s32 $0xFFFF4800, v56  }
0x4c: {  	v62 =	vld [tilespmem:$0x1E0];
	vm9 =	vgt.s32 v57, $0xCFFF;
	[tilespmem:$0x370] =	vst v2;
	v2 =	vsel vm8, v3, v56;
	v3 =	vadd.s32 $0xFFFF4800, v57  }
0x4d: {  	v63 =	vld [tilespmem:$0x1F0];
	vm10 =	vgt.s32 v58, $0xCFFF;
	[tilespmem:$0x380] =	vst v2;
	v2 =	vsel vm9, v3, v57;
	v3 =	vadd.s32 $0xFFFF4800, v58  }
0x4e: {  	vm11 =	vgt.s32 v59, $0xCFFF;
	[tilespmem:$0x390] =	vst v2;
	v2 =	vsel vm10, v3, v58;
	v3 =	vadd.s32 $0xFFFF4800, v59  }
0x4f: {  	vm12 =	vgt.s32 v60, $0xCFFF;
	[tilespmem:$0x3A0] =	vst v2;
	v2 =	vsel vm11, v3, v59;
	v3 =	vadd.s32 $0xFFFF4800, v60  }
0x50: {  	vm13 =	vgt.s32 v61, $0xCFFF;
	[tilespmem:$0x3B0] =	vst v2;
	v2 =	vsel vm12, v3, v60;
	v3 =	vadd.s32 $0xFFFF4800, v61  }
0x51: {  	vm14 =	vgt.s32 v62, $0xCFFF;
	[tilespmem:$0x3C0] =	vst v2;
	v2 =	vsel vm13, v3, v61;
	v3 =	vadd.s32 $0xFFFF4800, v62  }
0x52: {  	vm15 =	vgt.s32 v63, $0xCFFF;
	[tilespmem:$0x3D0] =	vst v2;
	v2 =	vsel vm14, v3, v62;
	v3 =	vadd.s32 $0xFFFF4800, v63  }
0x53: {  	[tilespmem:$0x3E0] =	vst v2;
	v2 =	vsel vm15, v3, v63  }
0x54: {  	s0 =	rddreg [dreg:$0x11];
	[tilespmem:$0x3F0] =	vst v2  }
0x55: {  	[tilespmem:s11], [sflag:$0x1] =	stream.indirect.gather [hbm4b:s5+s8], $0x80, s0, s8, $0xb8;
	[tilespmem:$0x12370] =	vst v63  }
0x56: {  	s12 =	rddreg [dreg:$0x12];
	s0 =	simm.s32 $0x4B00  }
0x57: {  	[tilespmem:s0], [sflag:$0x1] =	stream.indirect.gather [hbm4b:s5+s8], $0x80, s12, s8, $0xb8;
	[tilespmem:$0x12370] =	vst v63  }
0x58: {  	_ = 	snop  }
0x59: {  	[tilespmem:s14], [sflag:$0x1] =	stream.indirect.gather [hbm4b:s5+s8], $0x80, s13, s8, $0xb8;
	[tilespmem:$0x12370] =	vst v63  }
0x5a: {  	_ = 	snop  }
0x5b: {  	[tilespmem:s16], [sflag:$0x1] =	stream.indirect.gather [hbm4b:s5+s8], $0x80, s15, s8, $0xb8;
	[tilespmem:$0x12370] =	vst v63  }
0x5c: {  	[tilespmem:$0x800] =	vst v0  }
0x5d: {  	[tilespmem:$0x880] =	vst v1  }
0x5e: {  	[tilespmem:$0x810] =	vst v0  }
0x5f: {  	[tilespmem:$0x890] =	vst v1  }
0x60: {  	[tilespmem:$0x820] =	vst v0  }
0x61: {  	[tilespmem:$0x8A0] =	vst v1  }
0x62: {  	[tilespmem:$0x830] =	vst v0  }
0x63: {  	[tilespmem:$0x8B0] =	vst v1  }
0x64: {  	[tilespmem:$0x840] =	vst v0  }
0x65: {  	[tilespmem:$0x8C0] =	vst v1  }
0x66: {  	[tilespmem:$0x850] =	vst v0  }
0x67: {  	[tilespmem:$0x8D0] =	vst v1  }
0x68: {  	[tilespmem:$0x860] =	vst v0  }
0x69: {  	[tilespmem:$0x8E0] =	vst v1  }
0x6a: {  	[tilespmem:$0x870] =	vst v0  }
0x6b: {  	[tilespmem:$0x8F0] =	vst v1  }
0x6c: {  	[tilespmem:s17], [sflag:$0x2] =	stream.linear.gather [hbm4b:s4+s3], $0x80, $0x38;
	[tilespmem:$0x12370] =	vst v63  }
0x6d: {  	_ =	swait.ge [sflag:s7], $0x80  }
0x6e: {  	[sflag:s7] =	ssyncset.done $0x0  }
0x6f: {  	s12 =	rddreg [dreg:$0x8];
	[sflag:s7] =	ssyncadd.s32 $0xFFFFFF80  }
0x70: {  	[tilespmem:s18], [sflag:$0x2] =	stream.linear.gather [hbm4b:s12+s3], $0x80, $0x38;
	[tilespmem:$0x12370] =	vst v63  }
0x71: {  	_ =	swait.ge [sflag:s7], $0x80  }
0x72: {  	[sflag:s7] =	ssyncset.done $0x0  }
0x73: {  	s12 =	rddreg [dreg:$0x9];
	[sflag:s7] =	ssyncadd.s32 $0xFFFFFF80  }
0x74: {  	[tilespmem:s19], [sflag:$0x2] =	stream.linear.gather [hbm4b:s12+s3], $0x80, $0x38;
	[tilespmem:$0x12370] =	vst v63  }
0x75: {  	_ =	swait.ge [sflag:s7], $0x80  }
0x76: {  	[sflag:s7] =	ssyncset.done $0x0  }
0x77: {  	s12 =	rddreg [dreg:$0xa];
	[sflag:s7] =	ssyncadd.s32 $0xFFFFFF80  }
0x78: {  	[tilespmem:s20], [sflag:$0x2] =	stream.linear.gather [hbm4b:s12+s3], $0x80, $0x38;
	[tilespmem:$0x12370] =	vst v63  }
0x79: {  	_ =	swait.ge [sflag:s7], $0x80  }
0x7a: {  	[sflag:s7] =	ssyncset.done $0x0  }
0x7b: {  	s12 =	rddreg [dreg:$0xb];
	[sflag:s7] =	ssyncadd.s32 $0xFFFFFF80  }
0x7c: {  	[tilespmem:s21], [sflag:$0x2] =	stream.linear.gather [hbm4b:s12+s3], $0x80, $0x38;
	[tilespmem:$0x12370] =	vst v63  }
0x7d: {  	_ =	swait.ge [sflag:s7], $0x80  }
0x7e: {  	[sflag:s7] =	ssyncset.done $0x0  }
0x7f: {  	s12 =	rddreg [dreg:$0xc];
	[sflag:s7] =	ssyncadd.s32 $0xFFFFFF80  }
0x80: {  	[tilespmem:s22], [sflag:$0x2] =	stream.linear.gather [hbm4b:s12+s3], $0x80, $0x38;
	[tilespmem:$0x12370] =	vst v63  }
0x81: {  	_ =	swait.ge [sflag:s7], $0x80  }
0x82: {  	[sflag:s7] =	ssyncset.done $0x0  }
0x83: {  	s12 =	rddreg [dreg:$0xd];
	[sflag:s7] =	ssyncadd.s32 $0xFFFFFF80  }
0x84: {  	[tilespmem:s23], [sflag:$0x2] =	stream.linear.gather [hbm4b:s12+s3], $0x80, $0x38;
	[tilespmem:$0x12370] =	vst v63  }
0x85: {  	_ =	swait.ge [sflag:s7], $0x80  }
0x86: {  	[sflag:s7] =	ssyncset.done $0x0  }
0x87: {  	s12 =	rddreg [dreg:$0xe];
	[sflag:s7] =	ssyncadd.s32 $0xFFFFFF80  }
0x88: {  	[tilespmem:s24], [sflag:$0x2] =	stream.linear.gather [hbm4b:s12+s3], $0x80, $0x38;
	[tilespmem:$0x12370] =	vst v63  }
0x89: {  	_ =	swait.ge [sflag:s7], $0x80  }
0x8a: {  	[sflag:s7] =	ssyncset.done $0x0  }
0x8b: {  	[sflag:s7] =	ssyncadd.s32 $0xFFFFFF80  }
0x8c: {  	[spmem:s2] =	stream.indirect.scatter [tilespmem:s25], [sflag:$0x2], $0x1, s17, s8, $0xb8;
	[tilespmem:$0x12370] =	vst v63  }
0x8d: {  	_ =	swait.ge [sflag:s7], $0x80  }
0x8e: {  	[sflag:s7] =	ssyncset.done $0x0  }
0x8f: {  	[sflag:s7] =	ssyncadd.s32 $0xFFFFFF80  }
0x90: {  	[spmem:s2] =	stream.indirect.scatter [tilespmem:s25], [sflag:$0x2], $0x1, s18, s8, $0xb8;
	[tilespmem:$0x12370] =	vst v63  }
0x91: {  	_ =	swait.ge [sflag:s7], $0x80  }
0x92: {  	[sflag:s7] =	ssyncset.done $0x0  }
0x93: {  	[sflag:s7] =	ssyncadd.s32 $0xFFFFFF80  }
0x94: {  	[spmem:s2] =	stream.indirect.scatter [tilespmem:s25], [sflag:$0x2], $0x1, s19, s8, $0xb8;
	[tilespmem:$0x12370] =	vst v63  }
0x95: {  	_ =	swait.ge [sflag:s7], $0x80  }
0x96: {  	[sflag:s7] =	ssyncset.done $0x0  }
0x97: {  	[sflag:s7] =	ssyncadd.s32 $0xFFFFFF80  }
0x98: {  	[spmem:s2] =	stream.indirect.scatter [tilespmem:s25], [sflag:$0x2], $0x1, s20, s8, $0xb8;
	[tilespmem:$0x12370] =	vst v63  }
0x99: {  	_ =	swait.ge [sflag:s7], $0x80  }
0x9a: {  	[sflag:s7] =	ssyncset.done $0x0  }
0x9b: {  	[sflag:s7] =	ssyncadd.s32 $0xFFFFFF80  }
0x9c: {  	[spmem:s2] =	stream.indirect.scatter [tilespmem:s25], [sflag:$0x2], $0x1, s21, s8, $0xb8;
	[tilespmem:$0x12370] =	vst v63  }
0x9d: {  	_ =	swait.ge [sflag:s7], $0x80  }
0x9e: {  	[sflag:s7] =	ssyncset.done $0x0  }
0x9f: {  	[sflag:s7] =	ssyncadd.s32 $0xFFFFFF80  }
0xa0: {  	[spmem:s2] =	stream.indirect.scatter [tilespmem:s25], [sflag:$0x2], $0x1, s22, s8, $0xb8;
	[tilespmem:$0x12370] =	vst v63  }
0xa1: {  	_ =	swait.ge [sflag:s7], $0x80  }
0xa2: {  	[sflag:s7] =	ssyncset.done $0x0  }
0xa3: {  	[sflag:s7] =	ssyncadd.s32 $0xFFFFFF80  }
0xa4: {  	[spmem:s2] =	stream.indirect.scatter [tilespmem:s25], [sflag:$0x2], $0x1, s23, s8, $0xb8;
	[tilespmem:$0x12370] =	vst v63  }
0xa5: {  	_ =	swait.ge [sflag:s7], $0x80  }
0xa6: {  	[sflag:s7] =	ssyncset.done $0x0  }
0xa7: {  	[sflag:s7] =	ssyncadd.s32 $0xFFFFFF80  }
0xa8: {  	[spmem:s2] =	stream.indirect.scatter [tilespmem:s25], [sflag:$0x2], $0x1, s24, s8, $0xb8;
	[tilespmem:$0x12370] =	vst v63  }
0xa9: {  	_ =	swait.ge [sflag:s7], $0x80  }
0xaa: {  	[sflag:s7] =	ssyncset.done $0x0  }
0xab: {  	[sflag:s7] =	ssyncadd.s32 $0xFFFFFF80  }
0xac: {  	[bflag:$0x0] =	sbarrier.arrive $0xFFFF  }
0xad: {  	[spmem:s2] =	stream.indirect.scatter.add.f32 [tilespmem:s26], [sflag:$0x2], $0x1, s17, s8, $0xb8;
	[tilespmem:$0x12370] =	vst v63  }
0xae: {  	_ =	swait.ge [sflag:s7], $0x80  }
0xaf: {  	[sflag:s7] =	ssyncset.done $0x0  }
0xb0: {  	[sflag:s7] =	ssyncadd.s32 $0xFFFFFF80  }
0xb1: {  	[spmem:s2] =	stream.indirect.scatter.add.f32 [tilespmem:s26], [sflag:$0x2], $0x1, s18, s8, $0xb8;
	[tilespmem:$0x12370] =	vst v63  }
0xb2: {  	_ =	swait.ge [sflag:s7], $0x80  }
0xb3: {  	[sflag:s7] =	ssyncset.done $0x0  }
0xb4: {  	[sflag:s7] =	ssyncadd.s32 $0xFFFFFF80  }
0xb5: {  	[spmem:s2] =	stream.indirect.scatter.add.f32 [tilespmem:s26], [sflag:$0x2], $0x1, s19, s8, $0xb8;
	[tilespmem:$0x12370] =	vst v63  }
0xb6: {  	_ =	swait.ge [sflag:s7], $0x80  }
0xb7: {  	[sflag:s7] =	ssyncset.done $0x0  }
0xb8: {  	[sflag:s7] =	ssyncadd.s32 $0xFFFFFF80  }
0xb9: {  	[spmem:s2] =	stream.indirect.scatter.add.f32 [tilespmem:s26], [sflag:$0x2], $0x1, s20, s8, $0xb8;
	[tilespmem:$0x12370] =	vst v63  }
0xba: {  	_ =	swait.ge [sflag:s7], $0x80  }
0xbb: {  	[sflag:s7] =	ssyncset.done $0x0  }
0xbc: {  	[sflag:s7] =	ssyncadd.s32 $0xFFFFFF80  }
0xbd: {  	[spmem:s2] =	stream.indirect.scatter.add.f32 [tilespmem:s26], [sflag:$0x2], $0x1, s21, s8, $0xb8;
	[tilespmem:$0x12370] =	vst v63  }
0xbe: {  	_ =	swait.ge [sflag:s7], $0x80  }
0xbf: {  	[sflag:s7] =	ssyncset.done $0x0  }
0xc0: {  	[sflag:s7] =	ssyncadd.s32 $0xFFFFFF80  }
0xc1: {  	[spmem:s2] =	stream.indirect.scatter.add.f32 [tilespmem:s26], [sflag:$0x2], $0x1, s22, s8, $0xb8;
	[tilespmem:$0x12370] =	vst v63  }
0xc2: {  	_ =	swait.ge [sflag:s7], $0x80  }
0xc3: {  	[sflag:s7] =	ssyncset.done $0x0  }
0xc4: {  	[sflag:s7] =	ssyncadd.s32 $0xFFFFFF80  }
0xc5: {  	[spmem:s2] =	stream.indirect.scatter.add.f32 [tilespmem:s26], [sflag:$0x2], $0x1, s23, s8, $0xb8;
	[tilespmem:$0x12370] =	vst v63  }
0xc6: {  	_ =	swait.ge [sflag:s7], $0x80  }
0xc7: {  	[sflag:s7] =	ssyncset.done $0x0  }
0xc8: {  	[sflag:s7] =	ssyncadd.s32 $0xFFFFFF80  }
0xc9: {  	[spmem:s2] =	stream.indirect.scatter.add.f32 [tilespmem:s26], [sflag:$0x2], $0x1, s24, s8, $0xb8;
	[tilespmem:$0x12370] =	vst v63  }
0xca: {  	_ =	swait.ge [sflag:s7], $0x80  }
0xcb: {  	[sflag:s7] =	ssyncset.done $0x0  }
0xcc: {  	[sflag:s7] =	ssyncadd.s32 $0xFFFFFF80  }
0xcd: {  	[bflag:$0x0] =	sbarrier.arrive $0xFFFF  }
0xce: {  	[tilespmem:s28], [sflag:$0x2] =	stream.indirect.gather [spmem:s2], $0x1, s3, s8, $0xb8;
	[tilespmem:$0x12370] =	vst v63  }
0xcf: {  	_ =	swait.ge [sflag:s7], $0x80  }
0xd0: {  	[sflag:s7] =	ssyncset.done $0x0  }
0xd1: {  	[sflag:s7] =	ssyncadd.s32 $0xFFFFFF80  }
0xd2: {  	[tilespmem:s29], [sflag:$0x2] =	stream.indirect.gather [spmem:s2], $0x1, s8, s8, $0xb8;
	[tilespmem:$0x12370] =	vst v63  }
0xd3: {  	_ =	swait.ge [sflag:s7], $0x80  }
0xd4: {  	[sflag:s7] =	ssyncset.done $0x0  }
0xd5: {  	[sflag:s7] =	ssyncadd.s32 $0xFFFFFF80  }
0xd6: {  	[tilespmem:s30], [sflag:$0x2] =	stream.indirect.gather [spmem:s2], $0x1, s9, s8, $0xb8;
	[tilespmem:$0x12370] =	vst v63  }
0xd7: {  	_ =	swait.ge [sflag:s7], $0x80  }
0xd8: {  	[sflag:s7] =	ssyncset.done $0x0  }
0xd9: {  	[sflag:s7] =	ssyncadd.s32 $0xFFFFFF80  }
0xda: {  	[tilespmem:s31], [sflag:$0x2] =	stream.indirect.gather [spmem:s2], $0x1, s10, s8, $0xb8;
	[tilespmem:$0x12370] =	vst v63  }
0xdb: {  	_ =	swait.ge [sflag:s7], $0x80  }
0xdc: {  	[sflag:s7] =	ssyncset.done $0x0  }
0xdd: {  	s12 =	rddreg [dreg:$0xf];
	[sflag:s7] =	ssyncadd.s32 $0xFFFFFF80  }
0xde: {  	[hbm4b:s12+s3] =	stream.linear.scatter [tilespmem:s28], [sflag:$0x2], $0x200, $0x38;
	[tilespmem:$0x12370] =	vst v63  }
0xdf: {  	_ =	swait.ge [sflag:s7], $0x200  }
0xe0: {  	[sflag:s7] =	ssyncset.done $0x0  }
0xe1: {  	[sflag:s7] =	ssyncadd.s32 $0xFFFFFE00  }
0xe2: {  	_ =	swait.ge [sflag:s1], $0x4000  }
0xe3: {  	[sflag:s1] =	ssyncset.done $0x0  }
0xe4: {  	[sflag:s1] =	ssyncadd.s32 $0xFFFFC000  }
0xe5: {  	_ =	swait.ge [sflag:s1], $0x4000  }
0xe6: {  	[sflag:s1] =	ssyncset.done $0x0  }
0xe7: {  	[sflag:s1] =	ssyncadd.s32 $0xFFFFC000  }
0xe8: {  	_ =	swait.ge [sflag:s1], $0x4000  }
0xe9: {  	[sflag:s1] =	ssyncset.done $0x0  }
0xea: {  	[sflag:s1] =	ssyncadd.s32 $0xFFFFC000  }
0xeb: {  	_ =	swait.ge [sflag:s1], $0x4000  }
0xec: {  	p0 =	sne.s32 s6, $0x1;
	[sflag:s1] =	ssyncset.done $0x0  }
.Ltmp0:
0xed: {  	s12 =	rddreg [dreg:$0x10];
	[sflag:s1] =	ssyncadd.s32 $0xFFFFC000;
	(pc) =	sbr.rel @p0 .LBB2_1-.Ltmp0, $4  }
0xee: {  	[hbm4b:s12+s3] =	stream.linear.scatter [tilespmem:s11], [sflag:$0x2], $0x10000, $0x38;
	[tilespmem:$0x12370] =	vst v63  }
0xef: {  	_ =	swait.ge [sflag:s7], $0x10000  }
0xf0: {  	[sflag:s7] =	ssyncset.done $0x0  }
0xf1: {  	s6 =	sadd.s32 $0xFFFFFFFF, s6;
	[sflag:s7] =	ssyncadd.s32 $0xFFFF0000  }
0xf2: {  	_ =	sfence.sel $0x180000  }
0xf3: {  	[bflag:$0x0] =	sbarrier.arrive $0xFFFF  }
0xf4: {  	_ =	strace $0x90000047  }
0xf5: {  	s0 =	stileid.u32;
	[bflag:$0x2] =	sbarrier.arrive $0xFFFF  }
0xf6: {  	p0 =	sne.s32 s0, $0x0;
	s0 =	rddreg [dreg:$0x3]  }
0xf7: {  	s0 =	sadd.s32 @!p0 $0x100000, s0  }
0xf8: {  	[sflag:s0] =	ssyncadd.tile.s32 @!p0 $0x1;
	_ =	shalt  }
.Lfunc_end2:
_tile_overlayer_lowered:
.L_overlay_start_2:
0xf9: {  	(tag) =	ssettag $0x2  }
0xfa: {  	s0 =	rddreg [dreg:$0x0];
	s2 =	stileid.u32  }
0xfb: {  	s1 =	rddreg [dreg:$0x1];
	p0 =	sne.s32 s2, $0x0  }
0xfc: {  	s3 =	rddreg [dreg:$0x2];
	[bflag:$0x3] =	sbarrier.arrive $0xFFFF;
	s2 =	simm.s32 @!p0 $0x1C02  }
0xfd: {  	[timem:s3], [sflag:s2] =	dma.local @!p0 [hbm:s0], s1  }
0xfe: {  	s0 =	simm.s32 @!p0 $0x2  }
0xff: {  	_ =	swait.ge @!p0 [sflag:s0], s1  }
0x100: {  	s1 =	ssub.s32 @!p0 $0x0, s1;
	[sflag:s0] =	ssyncset.done @!p0 $0x0  }
0x101: {  	[sflag:s0] =	ssyncadd.s32 @!p0 s1  }
0x102: {  	[bflag:$0x3] =	sbarrier.arrive $0xFFFF  }
0x103: {  	_ =	shalt  }

</sc_bundles>
